<compile_context>
chip_gen: v7x
topology: tpu7x:2x2x1
jax: 0.10.2.dev20260603
libtpu: 0.0.44.dev20260713+nightly
codegen_flags: <defaults>
</compile_context>

<pallas_src>
import jax
import jax.numpy as jnp
from jax import lax
from jax.experimental import pallas as pl
from jax.experimental.pallas import tpu as pltpu
from jax.experimental.pallas import tpu_sc as plsc

N_NODES = 10000
N_EDGES = 320000
D = 128
EPS = 1e-5

NC = 2
NS = 16
NW = NC * NS
E_PER_TILE = N_EDGES // NW
K = 128
NCHUNK = E_PER_TILE // K
KT = E_PER_TILE - NCHUNK * K
NI = 4
NG = 2
ROWS_MAIN = 624
ROWS_TAIL_OFF = ROWS_MAIN * NS
ROWS_TAIL = N_NODES - ROWS_TAIL_OFF


def _sc_aggregate(edges_hbm, x_hbm, out_hbm,
                  iv0, iv1, iv2, iv3, dv0, dv1, dv2, dv3,
                  rows0, rows1, iv_t, dv_t, rows_t, aggr_sh,
                  is0, is1, is2, is3, ds0, ds1, ds2, ds3, gs0, gs1,
                  ist, dst_s, gst):
    ivs = (iv0, iv1, iv2, iv3)
    dvs = (dv0, dv1, dv2, dv3)
    isems = (is0, is1, is2, is3)
    dsems = (ds0, ds1, ds2, ds3)
    rows = (rows0, rows1)
    gsems = (gs0, gs1)

    c = lax.axis_index("c")
    s = lax.axis_index("s")
    wid = s * NC + c
    sbase = wid * E_PER_TILE
    dbase = N_EDGES + wid * E_PER_TILE

    def fire_idx(i, p):
        pltpu.async_copy(edges_hbm.at[pl.ds(sbase + K * i, K)],
                         ivs[p], isems[p])
        pltpu.async_copy(edges_hbm.at[pl.ds(dbase + K * i, K)],
                         dvs[p], dsems[p])

    def drain_isem(p):
        pltpu.make_async_copy(edges_hbm.at[pl.ds(0, K)], ivs[p],
                              isems[p]).wait()

    def drain_dsem(p):
        pltpu.make_async_copy(edges_hbm.at[pl.ds(0, K)], dvs[p],
                              dsems[p]).wait()

    def fire_gather(p):
        pltpu.async_copy(x_hbm.at[ivs[p % NI]], rows[p % NG], gsems[p % NG])

    def drain_gsem(p):
        pltpu.make_async_copy(x_hbm.at[pl.ds(0, K)], rows[p % NG],
                              gsems[p % NG]).wait()

    def scatter(p):
        pltpu.sync_copy(rows[p % NG], aggr_sh.at[dvs[p % NI]], add=True)

    def it(i, im, n=NCHUNK):
        if isinstance(i, int):
            if i + 1 < n:
                drain_isem((im + 1) % NI)
                fire_gather(im + 1)
        else:
            drain_isem((im + 1) % NI)
            fire_gather(im + 1)
        drain_gsem(im)
        drain_dsem(im % NI)
        scatter(im)
        if isinstance(i, int):
            if i + NI < n:
                fire_idx(i + NI, im % NI)
        else:
            fire_idx(i + NI, im % NI)

    for b in range(NI):
        fire_idx(b, b)
    pltpu.async_copy(edges_hbm.at[pl.ds(sbase + NCHUNK * K, KT)], iv_t, ist)
    pltpu.async_copy(edges_hbm.at[pl.ds(dbase + NCHUNK * K, KT)], dv_t, dst_s)
    drain_isem(0)
    fire_gather(0)
    pltpu.make_async_copy(edges_hbm.at[pl.ds(0, KT)], iv_t, ist).wait()
    pltpu.async_copy(x_hbm.at[iv_t], rows_t, gst)

    z16 = jnp.zeros((16,), jnp.float32)

    def zbody(r, carry):
        for j in range(D // 16):
            rows1[r, pl.ds(j * 16, 16)] = z16
        return carry

    lax.fori_loop(0, K, zbody, 0)

    r0 = s * ROWS_MAIN
    for t in range(4):
        pltpu.sync_copy(rows1, aggr_sh.at[pl.ds(r0 + K * t, K)])
    pltpu.sync_copy(rows1.at[pl.ds(0, 112)],
                    aggr_sh.at[pl.ds(r0 + 4 * K, 112)])

    @pl.when(s == NS - 1)
    def _():
        pltpu.sync_copy(rows1.at[pl.ds(0, ROWS_TAIL)],
                        aggr_sh.at[pl.ds(ROWS_TAIL_OFF, ROWS_TAIL)])

    plsc.subcore_barrier()

    def body(j, carry):
        i0 = j * NI
        for b in range(NI):
            it(i0 + b, b)
        return carry

    lax.fori_loop(0, 18, body, 0)

    for i in range(72, NCHUNK):
        it(i, i % NI)

    pltpu.make_async_copy(x_hbm.at[pl.ds(0, KT)], rows_t, gst).wait()
    pltpu.make_async_copy(edges_hbm.at[pl.ds(0, KT)], dv_t, dst_s).wait()
    pltpu.sync_copy(rows_t, aggr_sh.at[dv_t], add=True)

    plsc.subcore_barrier()

    pltpu.sync_copy(aggr_sh.at[pl.ds(r0, ROWS_MAIN)],
                    out_hbm.at[c, pl.ds(r0, ROWS_MAIN)])

    @pl.when(s == NS - 1)
    def _():
        pltpu.sync_copy(aggr_sh.at[pl.ds(ROWS_TAIL_OFF, ROWS_TAIL)],
                        out_hbm.at[c, pl.ds(ROWS_TAIL_OFF, ROWS_TAIL)])


_sc_aggregate_call = pl.kernel(
    _sc_aggregate,
    out_type=jax.ShapeDtypeStruct((NC, N_NODES, D), jnp.float32),
    mesh=plsc.VectorSubcoreMesh(core_axis_name="c", subcore_axis_name="s",
                                num_cores=NC, num_subcores=NS),
    scratch_types=(
        [pltpu.VMEM((K,), jnp.int32) for _ in range(NI)]
        + [pltpu.VMEM((K,), jnp.int32) for _ in range(NI)]
        + [pltpu.VMEM((K, D), jnp.float32) for _ in range(NG)]
        + [pltpu.VMEM((KT,), jnp.int32), pltpu.VMEM((KT,), jnp.int32)]
        + [pltpu.VMEM((KT, D), jnp.float32)]
        + [pltpu.VMEM_SHARED((N_NODES, D), jnp.float32)]
        + [pltpu.SemaphoreType.DMA for _ in range(2 * NI + NG + 3)]
    ),
)


def _tc_finish(parts_ref, x_ref, wrT_ref, b_ref, wrootT_ref,
               gamma_ref, beta_ref, out_ref):
    aggr = parts_ref[0] + parts_ref[1]
    h = (jnp.dot(aggr, wrT_ref[...], preferred_element_type=jnp.float32)
         + jnp.dot(x_ref[...], wrootT_ref[...],
                   preferred_element_type=jnp.float32)
         + b_ref[...])
    mean = jnp.mean(h, axis=0, keepdims=True)
    d = h - mean
    var = jnp.mean(d * d, axis=0, keepdims=True)
    inv = lax.rsqrt(var + EPS)
    out_ref[...] = jnp.maximum(d * inv * gamma_ref[...] + beta_ref[...], 0.0)


_tc_finish_call = pl.pallas_call(
    _tc_finish,
    out_shape=jax.ShapeDtypeStruct((N_NODES, D), jnp.float32),
)


@jax.jit
def kernel(x, edge_index, batch, W_rel, b_rel, W_root, gamma, beta):
    edges = edge_index.astype(jnp.int32).reshape(2 * N_EDGES)
    parts = _sc_aggregate_call(edges, x)
    return _tc_finish_call(parts, x, W_rel.T, b_rel.reshape(1, D),
                           W_root.T, gamma.reshape(1, D), beta.reshape(1, D))

# --- scband reference (transcript-rebuilt; emitter-appended) ---
"""Pipeline reference for scband-graph-conv-bn-1090921693611 (READ-ONLY COPY).

The authoritative reference and input builder live on the scoring server;
editing this copy changes nothing except your own understanding.
"""

import jax, jax.numpy as jnp
import numpy as np

N_NODES = 10000
N_EDGES = 320000
D_IN = 128
D_OUT = 128
EPS = 1e-5

def setup_inputs(seed: int = 0) -> dict:
    key = jax.random.key(seed)
    k1, k2, k3, k4, k5, k6, k7 = jax.random.split(key, 7)
    x = jax.random.normal(k1, (N_NODES, D_IN), dtype=jnp.float32)
    edge_index = jax.random.randint(k2, (2, N_EDGES), 0, N_NODES, dtype=jnp.int64)
    batch = jnp.sort(jax.random.randint(k3, (N_NODES,), 0, 32, dtype=jnp.int64))
    scale = 1.0 / np.sqrt(D_IN)
    W_rel = jax.random.uniform(k4, (D_OUT, D_IN), dtype=jnp.float32, minval=-scale, maxval=scale)
    b_rel = jax.random.uniform(k5, (D_OUT,), dtype=jnp.float32, minval=-scale, maxval=scale)
    W_root = jax.random.uniform(k6, (D_OUT, D_IN), dtype=jnp.float32, minval=-scale, maxval=scale)
    gamma = jnp.ones((D_OUT,), dtype=jnp.float32)
    beta = jnp.zeros((D_OUT,), dtype=jnp.float32)
    return {"x": x, "edge_index": edge_index, "batch": batch, "W_rel": W_rel, "b_rel": b_rel, "W_root": W_root, "gamma": gamma, "beta": beta}

def reference(x, edge_index, batch, W_rel, b_rel, W_root, gamma, beta):
    # GraphConv (PyG, aggr='add'): out = lin_rel(sum_{j in N(i)} x_j) + lin_root(x_i)
    src = edge_index[0]
    dst = edge_index[1]
    msgs = jnp.take(x, src, axis=0)
    aggr = jax.ops.segment_sum(msgs, dst, num_segments=x.shape[0])
    h = aggr @ W_rel.T + b_rel + x @ W_root.T
    # NodeLevelBatchNorm (training mode: use batch statistics over node dim)
    mean = jnp.mean(h, axis=0)
    var = jnp.var(h, axis=0)
    h_norm = (h - mean) / jnp.sqrt(var + EPS)
    h_bn = h_norm * gamma + beta
    out = jax.nn.relu(h_bn)
    return out

if __name__ == "__main__":
    import jax
    _d = setup_inputs()
    print(jax.jit(kernel)(*tuple(_d.values())))

</pallas_src>

<mosaic_0001>
#map = affine_map<(d0, d1) -> (0)>
#map1 = affine_map<(d0, d1) -> (0, 0)>
#map2 = affine_map<(d0, d1) -> (0, 0, 0)>
module attributes {stable_mosaic.version = 14 : i64} {
  func.func @_sc_aggregate(%arg0: i32, %arg1: i32, %arg2: memref<640000xi32, #tpu.memory_space<hbm>>, %arg3: memref<10000x128xf32, #tpu.memory_space<hbm>>, %arg4: memref<2x10000x128xf32, #tpu.memory_space<hbm>>, %arg5: memref<128xi32, #tpu.memory_space<vmem>>, %arg6: memref<128xi32, #tpu.memory_space<vmem>>, %arg7: memref<128xi32, #tpu.memory_space<vmem>>, %arg8: memref<128xi32, #tpu.memory_space<vmem>>, %arg9: memref<128xi32, #tpu.memory_space<vmem>>, %arg10: memref<128xi32, #tpu.memory_space<vmem>>, %arg11: memref<128xi32, #tpu.memory_space<vmem>>, %arg12: memref<128xi32, #tpu.memory_space<vmem>>, %arg13: memref<128x128xf32, #tpu.memory_space<vmem>>, %arg14: memref<128x128xf32, #tpu.memory_space<vmem>>, %arg15: memref<16xi32, #tpu.memory_space<vmem>>, %arg16: memref<16xi32, #tpu.memory_space<vmem>>, %arg17: memref<16x128xf32, #tpu.memory_space<vmem>>, %arg18: memref<10000x128xf32, #tpu.memory_space<vmem_shared>>, %arg19: memref<!tpu.dma_semaphore, #tpu.memory_space<semaphore_mem>>, %arg20: memref<!tpu.dma_semaphore, #tpu.memory_space<semaphore_mem>>, %arg21: memref<!tpu.dma_semaphore, #tpu.memory_space<semaphore_mem>>, %arg22: memref<!tpu.dma_semaphore, #tpu.memory_space<semaphore_mem>>, %arg23: memref<!tpu.dma_semaphore, #tpu.memory_space<semaphore_mem>>, %arg24: memref<!tpu.dma_semaphore, #tpu.memory_space<semaphore_mem>>, %arg25: memref<!tpu.dma_semaphore, #tpu.memory_space<semaphore_mem>>, %arg26: memref<!tpu.dma_semaphore, #tpu.memory_space<semaphore_mem>>, %arg27: memref<!tpu.dma_semaphore, #tpu.memory_space<semaphore_mem>>, %arg28: memref<!tpu.dma_semaphore, #tpu.memory_space<semaphore_mem>>, %arg29: memref<!tpu.dma_semaphore, #tpu.memory_space<semaphore_mem>>, %arg30: memref<!tpu.dma_semaphore, #tpu.memory_space<semaphore_mem>>, %arg31: memref<!tpu.dma_semaphore, #tpu.memory_space<semaphore_mem>>) attributes {dimension_semantics = [#tpu.dimension_semantics<core_parallel>, #tpu.dimension_semantics<subcore_parallel>], iteration_bounds = array<i64: 2, 16>, scalar_prefetch = 0 : i64, scratch_operands = 27 : i64, tpu.core_type = #tpu.core_type<sc_vector_subcore>, window_params = [{transform_indices = #map}, {transform_indices = #map1}, {transform_indices = #map2}]} {
    %mul3A = arith.constant 2 : i32
    %mul3A_0 = arith.muli %arg1, %mul3A : i32
    %add3A = arith.addi %mul3A_0, %arg0 : i32
    %mul3A_1 = arith.constant 10000 : i32
    %mul3A_2 = arith.muli %add3A, %mul3A_1 : i32
    %mul3A_3 = arith.constant 10000 : i32
    %mul3A_4 = arith.muli %add3A, %mul3A_3 : i32
    %add3A_5 = arith.constant 320000 : i32
    %add3A_6 = arith.addi %add3A_5, %mul3A_4 : i32
    %add3A_7 = arith.constant 0 : i32
    %add3A_8 = arith.addi %mul3A_2, %add3A_7 : i32
    %dma_start3A = tpu.memref_slice %arg2[%add3A_8] : memref<640000xi32, #tpu.memory_space<hbm>> -> memref<128xi32, #tpu.memory_space<hbm>>
    %dma_start3A_9 = tpu.memref_slice %arg2[%add3A_8] : memref<640000xi32, #tpu.memory_space<hbm>> -> memref<128xi32, #tpu.memory_space<hbm>>
    tpu.enqueue_dma source(%dma_start3A_9 : memref<128xi32, #tpu.memory_space<hbm>>) target(%arg5 : memref<128xi32, #tpu.memory_space<vmem>>) target_semaphore(%arg19 : memref<!tpu.dma_semaphore, #tpu.memory_space<semaphore_mem>>)
    %add3A_10 = arith.constant 0 : i32
    %add3A_11 = arith.addi %add3A_6, %add3A_10 : i32
    %dma_start3A_12 = tpu.memref_slice %arg2[%add3A_11] : memref<640000xi32, #tpu.memory_space<hbm>> -> memref<128xi32, #tpu.memory_space<hbm>>
    %dma_start3A_13 = tpu.memref_slice %arg2[%add3A_11] : memref<640000xi32, #tpu.memory_space<hbm>> -> memref<128xi32, #tpu.memory_space<hbm>>
    tpu.enqueue_dma source(%dma_start3A_13 : memref<128xi32, #tpu.memory_space<hbm>>) target(%arg9 : memref<128xi32, #tpu.memory_space<vmem>>) target_semaphore(%arg23 : memref<!tpu.dma_semaphore, #tpu.memory_space<semaphore_mem>>)
    %add3A_14 = arith.constant 128 : i32
    %add3A_15 = arith.addi %mul3A_2, %add3A_14 : i32
    %dma_start3A_16 = tpu.memref_slice %arg2[%add3A_15] : memref<640000xi32, #tpu.memory_space<hbm>> -> memref<128xi32, #tpu.memory_space<hbm>>
    %dma_start3A_17 = tpu.memref_slice %arg2[%add3A_15] : memref<640000xi32, #tpu.memory_space<hbm>> -> memref<128xi32, #tpu.memory_space<hbm>>
    tpu.enqueue_dma source(%dma_start3A_17 : memref<128xi32, #tpu.memory_space<hbm>>) target(%arg6 : memref<128xi32, #tpu.memory_space<vmem>>) target_semaphore(%arg20 : memref<!tpu.dma_semaphore, #tpu.memory_space<semaphore_mem>>)
    %add3A_18 = arith.constant 128 : i32
    %add3A_19 = arith.addi %add3A_6, %add3A_18 : i32
    %dma_start3A_20 = tpu.memref_slice %arg2[%add3A_19] : memref<640000xi32, #tpu.memory_space<hbm>> -> memref<128xi32, #tpu.memory_space<hbm>>
    %dma_start3A_21 = tpu.memref_slice %arg2[%add3A_19] : memref<640000xi32, #tpu.memory_space<hbm>> -> memref<128xi32, #tpu.memory_space<hbm>>
    tpu.enqueue_dma source(%dma_start3A_21 : memref<128xi32, #tpu.memory_space<hbm>>) target(%arg10 : memref<128xi32, #tpu.memory_space<vmem>>) target_semaphore(%arg24 : memref<!tpu.dma_semaphore, #tpu.memory_space<semaphore_mem>>)
    %add3A_22 = arith.constant 256 : i32
    %add3A_23 = arith.addi %mul3A_2, %add3A_22 : i32
    %dma_start3A_24 = tpu.memref_slice %arg2[%add3A_23] : memref<640000xi32, #tpu.memory_space<hbm>> -> memref<128xi32, #tpu.memory_space<hbm>>
    %dma_start3A_25 = tpu.memref_slice %arg2[%add3A_23] : memref<640000xi32, #tpu.memory_space<hbm>> -> memref<128xi32, #tpu.memory_space<hbm>>
    tpu.enqueue_dma source(%dma_start3A_25 : memref<128xi32, #tpu.memory_space<hbm>>) target(%arg7 : memref<128xi32, #tpu.memory_space<vmem>>) target_semaphore(%arg21 : memref<!tpu.dma_semaphore, #tpu.memory_space<semaphore_mem>>)
    %add3A_26 = arith.constant 256 : i32
    %add3A_27 = arith.addi %add3A_6, %add3A_26 : i32
    %dma_start3A_28 = tpu.memref_slice %arg2[%add3A_27] : memref<640000xi32, #tpu.memory_space<hbm>> -> memref<128xi32, #tpu.memory_space<hbm>>
    %dma_start3A_29 = tpu.memref_slice %arg2[%add3A_27] : memref<640000xi32, #tpu.memory_space<hbm>> -> memref<128xi32, #tpu.memory_space<hbm>>
    tpu.enqueue_dma source(%dma_start3A_29 : memref<128xi32, #tpu.memory_space<hbm>>) target(%arg11 : memref<128xi32, #tpu.memory_space<vmem>>) target_semaphore(%arg25 : memref<!tpu.dma_semaphore, #tpu.memory_space<semaphore_mem>>)
    %add3A_30 = arith.constant 384 : i32
    %add3A_31 = arith.addi %mul3A_2, %add3A_30 : i32
    %dma_start3A_32 = tpu.memref_slice %arg2[%add3A_31] : memref<640000xi32, #tpu.memory_space<hbm>> -> memref<128xi32, #tpu.memory_space<hbm>>
    %dma_start3A_33 = tpu.memref_slice %arg2[%add3A_31] : memref<640000xi32, #tpu.memory_space<hbm>> -> memref<128xi32, #tpu.memory_space<hbm>>
    tpu.enqueue_dma source(%dma_start3A_33 : memref<128xi32, #tpu.memory_space<hbm>>) target(%arg8 : memref<128xi32, #tpu.memory_space<vmem>>) target_semaphore(%arg22 : memref<!tpu.dma_semaphore, #tpu.memory_space<semaphore_mem>>)
    %add3A_34 = arith.constant 384 : i32
    %add3A_35 = arith.addi %add3A_6, %add3A_34 : i32
    %dma_start3A_36 = tpu.memref_slice %arg2[%add3A_35] : memref<640000xi32, #tpu.memory_space<hbm>> -> memref<128xi32, #tpu.memory_space<hbm>>
    %dma_start3A_37 = tpu.memref_slice %arg2[%add3A_35] : memref<640000xi32, #tpu.memory_space<hbm>> -> memref<128xi32, #tpu.memory_space<hbm>>
    tpu.enqueue_dma source(%dma_start3A_37 : memref<128xi32, #tpu.memory_space<hbm>>) target(%arg12 : memref<128xi32, #tpu.memory_space<vmem>>) target_semaphore(%arg26 : memref<!tpu.dma_semaphore, #tpu.memory_space<semaphore_mem>>)
    %add3A_38 = arith.constant 9984 : i32
    %add3A_39 = arith.addi %mul3A_2, %add3A_38 : i32
    %dma_start3A_40 = tpu.memref_slice %arg2[%add3A_39] : memref<640000xi32, #tpu.memory_space<hbm>> -> memref<16xi32, #tpu.memory_space<hbm>>
    %dma_start3A_41 = tpu.memref_slice %arg2[%add3A_39] : memref<640000xi32, #tpu.memory_space<hbm>> -> memref<16xi32, #tpu.memory_space<hbm>>
    tpu.enqueue_dma source(%dma_start3A_41 : memref<16xi32, #tpu.memory_space<hbm>>) target(%arg15 : memref<16xi32, #tpu.memory_space<vmem>>) target_semaphore(%arg29 : memref<!tpu.dma_semaphore, #tpu.memory_space<semaphore_mem>>)
    %add3A_42 = arith.constant 9984 : i32
    %add3A_43 = arith.addi %add3A_6, %add3A_42 : i32
    %dma_start3A_44 = tpu.memref_slice %arg2[%add3A_43] : memref<640000xi32, #tpu.memory_space<hbm>> -> memref<16xi32, #tpu.memory_space<hbm>>
    %dma_start3A_45 = tpu.memref_slice %arg2[%add3A_43] : memref<640000xi32, #tpu.memory_space<hbm>> -> memref<16xi32, #tpu.memory_space<hbm>>
    tpu.enqueue_dma source(%dma_start3A_45 : memref<16xi32, #tpu.memory_space<hbm>>) target(%arg16 : memref<16xi32, #tpu.memory_space<vmem>>) target_semaphore(%arg30 : memref<!tpu.dma_semaphore, #tpu.memory_space<semaphore_mem>>)
    %dma_wait3A = arith.constant 0 : i32
    %dma_wait3A_46 = tpu.memref_slice %arg2[%dma_wait3A] : memref<640000xi32, #tpu.memory_space<hbm>> -> memref<128xi32, #tpu.memory_space<hbm>>
    %dma_wait3A_47 = arith.constant 0 : i32
    %dma_wait3A_48 = tpu.memref_slice %arg2[%dma_wait3A_47] : memref<640000xi32, #tpu.memory_space<hbm>> -> memref<128xi32, #tpu.memory_space<hbm>>
    tpu.wait_dma2 semaphore(%arg19 : memref<!tpu.dma_semaphore, #tpu.memory_space<semaphore_mem>>) src(%dma_wait3A_48 : memref<128xi32, #tpu.memory_space<hbm>>) dst(%arg5 : memref<128xi32, #tpu.memory_space<vmem>>)
    %dma_start3A_49 = arith.constant 0 : i32
    %dma_start3A_50 = arith.constant 0 : i32
    %dma_start3A_51 = tpu.memref_slice %arg3[%dma_start3A_49, %dma_start3A_50] : memref<10000x128xf32, #tpu.memory_space<hbm>> -> memref<10000x128xf32, #tpu.memory_space<hbm>>
    tpu.enqueue_indirect_dma source(%dma_start3A_51 : memref<10000x128xf32, #tpu.memory_space<hbm>>) target(%arg13 : memref<128x128xf32, #tpu.memory_space<vmem>>) offsets(%arg5 : memref<128xi32, #tpu.memory_space<vmem>>) semaphore(%arg27 : memref<!tpu.dma_semaphore, #tpu.memory_space<semaphore_mem>>)
    %dma_wait3A_52 = arith.constant 0 : i32
    %dma_wait3A_53 = tpu.memref_slice %arg2[%dma_wait3A_52] : memref<640000xi32, #tpu.memory_space<hbm>> -> memref<16xi32, #tpu.memory_space<hbm>>
    %dma_wait3A_54 = arith.constant 0 : i32
    %dma_wait3A_55 = tpu.memref_slice %arg2[%dma_wait3A_54] : memref<640000xi32, #tpu.memory_space<hbm>> -> memref<16xi32, #tpu.memory_space<hbm>>
    tpu.wait_dma2 semaphore(%arg29 : memref<!tpu.dma_semaphore, #tpu.memory_space<semaphore_mem>>) src(%dma_wait3A_55 : memref<16xi32, #tpu.memory_space<hbm>>) dst(%arg15 : memref<16xi32, #tpu.memory_space<vmem>>)
    %dma_start3A_56 = arith.constant 0 : i32
    %dma_start3A_57 = arith.constant 0 : i32
    %dma_start3A_58 = tpu.memref_slice %arg3[%dma_start3A_56, %dma_start3A_57] : memref<10000x128xf32, #tpu.memory_space<hbm>> -> memref<10000x128xf32, #tpu.memory_space<hbm>>
    tpu.enqueue_indirect_dma source(%dma_start3A_58 : memref<10000x128xf32, #tpu.memory_space<hbm>>) target(%arg17 : memref<16x128xf32, #tpu.memory_space<vmem>>) offsets(%arg15 : memref<16xi32, #tpu.memory_space<vmem>>) semaphore(%arg31 : memref<!tpu.dma_semaphore, #tpu.memory_space<semaphore_mem>>)
    %broadcast_in_dim3A = arith.constant 0.000000e+00 : f32
    %broadcast_in_dim3A_59 = vector.broadcast %broadcast_in_dim3A : f32 to vector<16xf32>
    %scan3A = arith.constant 0 : i32
    %scan3A_60 = arith.constant 0 : i32
    %scan3A_61 = arith.constant 128 : i32
    %scan3A_62 = arith.addi %scan3A_60, %scan3A_61 : i32
    %scan3A_63 = arith.constant 1 : i32
    scf.for %scan3A_212 = %scan3A_60 to %scan3A_62 step %scan3A_63  : i32 {
      %swap3A = arith.index_cast %scan3A_212 : i32 to index
      %swap3A_213 = arith.constant 0 : index
      %swap3A_214 = tpu.vector_load %arg14[%swap3A, %swap3A_213] {strides = array<i32>} : memref<128x128xf32, #tpu.memory_space<vmem>>, vector<1x16xf32>,
      %swap3A_215 = vector.shape_cast %swap3A_214 : vector<1x16xf32> to vector<16xf32>
      %swap3A_216 = vector.shape_cast %broadcast_in_dim3A_59 : vector<16xf32> to vector<1x16xf32>
      tpu.vector_store %arg14[%swap3A, %swap3A_213], %swap3A_216 {strides = array<i32>} : memref<128x128xf32, #tpu.memory_space<vmem>>, vector<1x16xf32>,
      %swap3A_217 = arith.index_cast %scan3A_212 : i32 to index
      %swap3A_218 = arith.constant 16 : index
      %swap3A_219 = tpu.vector_load %arg14[%swap3A_217, %swap3A_218] {strides = array<i32>} : memref<128x128xf32, #tpu.memory_space<vmem>>, vector<1x16xf32>,
      %swap3A_220 = vector.shape_cast %swap3A_219 : vector<1x16xf32> to vector<16xf32>
      %swap3A_221 = vector.shape_cast %broadcast_in_dim3A_59 : vector<16xf32> to vector<1x16xf32>
      tpu.vector_store %arg14[%swap3A_217, %swap3A_218], %swap3A_221 {strides = array<i32>} : memref<128x128xf32, #tpu.memory_space<vmem>>, vector<1x16xf32>,
      %swap3A_222 = arith.index_cast %scan3A_212 : i32 to index
      %swap3A_223 = arith.constant 32 : index
      %swap3A_224 = tpu.vector_load %arg14[%swap3A_222, %swap3A_223] {strides = array<i32>} : memref<128x128xf32, #tpu.memory_space<vmem>>, vector<1x16xf32>,
      %swap3A_225 = vector.shape_cast %swap3A_224 : vector<1x16xf32> to vector<16xf32>
      %swap3A_226 = vector.shape_cast %broadcast_in_dim3A_59 : vector<16xf32> to vector<1x16xf32>
      tpu.vector_store %arg14[%swap3A_222, %swap3A_223], %swap3A_226 {strides = array<i32>} : memref<128x128xf32, #tpu.memory_space<vmem>>, vector<1x16xf32>,
      %swap3A_227 = arith.index_cast %scan3A_212 : i32 to index
      %swap3A_228 = arith.constant 48 : index
      %swap3A_229 = tpu.vector_load %arg14[%swap3A_227, %swap3A_228] {strides = array<i32>} : memref<128x128xf32, #tpu.memory_space<vmem>>, vector<1x16xf32>,
      %swap3A_230 = vector.shape_cast %swap3A_229 : vector<1x16xf32> to vector<16xf32>
      %swap3A_231 = vector.shape_cast %broadcast_in_dim3A_59 : vector<16xf32> to vector<1x16xf32>
      tpu.vector_store %arg14[%swap3A_227, %swap3A_228], %swap3A_231 {strides = array<i32>} : memref<128x128xf32, #tpu.memory_space<vmem>>, vector<1x16xf32>,
      %swap3A_232 = arith.index_cast %scan3A_212 : i32 to index
      %swap3A_233 = arith.constant 64 : index
      %swap3A_234 = tpu.vector_load %arg14[%swap3A_232, %swap3A_233] {strides = array<i32>} : memref<128x128xf32, #tpu.memory_space<vmem>>, vector<1x16xf32>,
      %swap3A_235 = vector.shape_cast %swap3A_234 : vector<1x16xf32> to vector<16xf32>
      %swap3A_236 = vector.shape_cast %broadcast_in_dim3A_59 : vector<16xf32> to vector<1x16xf32>
      tpu.vector_store %arg14[%swap3A_232, %swap3A_233], %swap3A_236 {strides = array<i32>} : memref<128x128xf32, #tpu.memory_space<vmem>>, vector<1x16xf32>,
      %swap3A_237 = arith.index_cast %scan3A_212 : i32 to index
      %swap3A_238 = arith.constant 80 : index
      %swap3A_239 = tpu.vector_load %arg14[%swap3A_237, %swap3A_238] {strides = array<i32>} : memref<128x128xf32, #tpu.memory_space<vmem>>, vector<1x16xf32>,
      %swap3A_240 = vector.shape_cast %swap3A_239 : vector<1x16xf32> to vector<16xf32>
      %swap3A_241 = vector.shape_cast %broadcast_in_dim3A_59 : vector<16xf32> to vector<1x16xf32>
      tpu.vector_store %arg14[%swap3A_237, %swap3A_238], %swap3A_241 {strides = array<i32>} : memref<128x128xf32, #tpu.memory_space<vmem>>, vector<1x16xf32>,
      %swap3A_242 = arith.index_cast %scan3A_212 : i32 to index
      %swap3A_243 = arith.constant 96 : index
      %swap3A_244 = tpu.vector_load %arg14[%swap3A_242, %swap3A_243] {strides = array<i32>} : memref<128x128xf32, #tpu.memory_space<vmem>>, vector<1x16xf32>,
      %swap3A_245 = vector.shape_cast %swap3A_244 : vector<1x16xf32> to vector<16xf32>
      %swap3A_246 = vector.shape_cast %broadcast_in_dim3A_59 : vector<16xf32> to vector<1x16xf32>
      tpu.vector_store %arg14[%swap3A_242, %swap3A_243], %swap3A_246 {strides = array<i32>} : memref<128x128xf32, #tpu.memory_space<vmem>>, vector<1x16xf32>,
      %swap3A_247 = arith.index_cast %scan3A_212 : i32 to index
      %swap3A_248 = arith.constant 112 : index
      %swap3A_249 = tpu.vector_load %arg14[%swap3A_247, %swap3A_248] {strides = array<i32>} : memref<128x128xf32, #tpu.memory_space<vmem>>, vector<1x16xf32>,
      %swap3A_250 = vector.shape_cast %swap3A_249 : vector<1x16xf32> to vector<16xf32>
      %swap3A_251 = vector.shape_cast %broadcast_in_dim3A_59 : vector<16xf32> to vector<1x16xf32>
      tpu.vector_store %arg14[%swap3A_247, %swap3A_248], %swap3A_251 {strides = array<i32>} : memref<128x128xf32, #tpu.memory_space<vmem>>, vector<1x16xf32>,
    }
    %scan3A_64 = arith.constant 128 : i32
    %mul3A_65 = arith.constant 624 : i32
    %mul3A_66 = arith.muli %arg1, %mul3A_65 : i32
    %add3A_67 = arith.constant 0 : i32
    %add3A_68 = arith.addi %mul3A_66, %add3A_67 : i32
    "tpu.region"() ({
      %run_scoped3A = tpu.sem_alloc : memref<!tpu.dma_semaphore, #tpu.memory_space<semaphore_mem>>
      %dma_start3A_212 = arith.constant 0 : i32
      %dma_start3A_213 = tpu.memref_slice %arg18[%add3A_68, %dma_start3A_212] : memref<10000x128xf32, #tpu.memory_space<vmem_shared>> -> memref<128x128xf32, #tpu.memory_space<vmem_shared>>
      %dma_start3A_214 = arith.constant 0 : i32
      %dma_start3A_215 = tpu.memref_slice %arg18[%add3A_68, %dma_start3A_214] : memref<10000x128xf32, #tpu.memory_space<vmem_shared>> -> memref<128x128xf32, #tpu.memory_space<vmem_shared>>
      tpu.enqueue_dma source(%arg14 : memref<128x128xf32, #tpu.memory_space<vmem>>) target(%dma_start3A_215 : memref<128x128xf32, #tpu.memory_space<vmem_shared>>) target_semaphore(%run_scoped3A : memref<!tpu.dma_semaphore, #tpu.memory_space<semaphore_mem>>)
      %dma_wait3A_216 = arith.constant 0 : i32
      %dma_wait3A_217 = tpu.memref_slice %arg18[%add3A_68, %dma_wait3A_216] : memref<10000x128xf32, #tpu.memory_space<vmem_shared>> -> memref<128x128xf32, #tpu.memory_space<vmem_shared>>
      %dma_wait3A_218 = arith.constant 0 : i32
      %dma_wait3A_219 = tpu.memref_slice %arg18[%add3A_68, %dma_wait3A_218] : memref<10000x128xf32, #tpu.memory_space<vmem_shared>> -> memref<128x128xf32, #tpu.memory_space<vmem_shared>>
      tpu.wait_dma2 semaphore(%run_scoped3A : memref<!tpu.dma_semaphore, #tpu.memory_space<semaphore_mem>>) src(%arg14 : memref<128x128xf32, #tpu.memory_space<vmem>>) dst(%dma_wait3A_219 : memref<128x128xf32, #tpu.memory_space<vmem_shared>>)
      tpu.yield
    }) : () -> ()
    %add3A_69 = arith.constant 128 : i32
    %add3A_70 = arith.addi %mul3A_66, %add3A_69 : i32
    "tpu.region"() ({
      %run_scoped3A = tpu.sem_alloc : memref<!tpu.dma_semaphore, #tpu.memory_space<semaphore_mem>>
      %dma_start3A_212 = arith.constant 0 : i32
      %dma_start3A_213 = tpu.memref_slice %arg18[%add3A_70, %dma_start3A_212] : memref<10000x128xf32, #tpu.memory_space<vmem_shared>> -> memref<128x128xf32, #tpu.memory_space<vmem_shared>>
      %dma_start3A_214 = arith.constant 0 : i32
      %dma_start3A_215 = tpu.memref_slice %arg18[%add3A_70, %dma_start3A_214] : memref<10000x128xf32, #tpu.memory_space<vmem_shared>> -> memref<128x128xf32, #tpu.memory_space<vmem_shared>>
      tpu.enqueue_dma source(%arg14 : memref<128x128xf32, #tpu.memory_space<vmem>>) target(%dma_start3A_215 : memref<128x128xf32, #tpu.memory_space<vmem_shared>>) target_semaphore(%run_scoped3A : memref<!tpu.dma_semaphore, #tpu.memory_space<semaphore_mem>>)
      %dma_wait3A_216 = arith.constant 0 : i32
      %dma_wait3A_217 = tpu.memref_slice %arg18[%add3A_70, %dma_wait3A_216] : memref<10000x128xf32, #tpu.memory_space<vmem_shared>> -> memref<128x128xf32, #tpu.memory_space<vmem_shared>>
      %dma_wait3A_218 = arith.constant 0 : i32
      %dma_wait3A_219 = tpu.memref_slice %arg18[%add3A_70, %dma_wait3A_218] : memref<10000x128xf32, #tpu.memory_space<vmem_shared>> -> memref<128x128xf32, #tpu.memory_space<vmem_shared>>
      tpu.wait_dma2 semaphore(%run_scoped3A : memref<!tpu.dma_semaphore, #tpu.memory_space<semaphore_mem>>) src(%arg14 : memref<128x128xf32, #tpu.memory_space<vmem>>) dst(%dma_wait3A_219 : memref<128x128xf32, #tpu.memory_space<vmem_shared>>)
      tpu.yield
    }) : () -> ()
    %add3A_71 = arith.constant 256 : i32
    %add3A_72 = arith.addi %mul3A_66, %add3A_71 : i32
    "tpu.region"() ({
      %run_scoped3A = tpu.sem_alloc : memref<!tpu.dma_semaphore, #tpu.memory_space<semaphore_mem>>
      %dma_start3A_212 = arith.constant 0 : i32
      %dma_start3A_213 = tpu.memref_slice %arg18[%add3A_72, %dma_start3A_212] : memref<10000x128xf32, #tpu.memory_space<vmem_shared>> -> memref<128x128xf32, #tpu.memory_space<vmem_shared>>
      %dma_start3A_214 = arith.constant 0 : i32
      %dma_start3A_215 = tpu.memref_slice %arg18[%add3A_72, %dma_start3A_214] : memref<10000x128xf32, #tpu.memory_space<vmem_shared>> -> memref<128x128xf32, #tpu.memory_space<vmem_shared>>
      tpu.enqueue_dma source(%arg14 : memref<128x128xf32, #tpu.memory_space<vmem>>) target(%dma_start3A_215 : memref<128x128xf32, #tpu.memory_space<vmem_shared>>) target_semaphore(%run_scoped3A : memref<!tpu.dma_semaphore, #tpu.memory_space<semaphore_mem>>)
      %dma_wait3A_216 = arith.constant 0 : i32
      %dma_wait3A_217 = tpu.memref_slice %arg18[%add3A_72, %dma_wait3A_216] : memref<10000x128xf32, #tpu.memory_space<vmem_shared>> -> memref<128x128xf32, #tpu.memory_space<vmem_shared>>
      %dma_wait3A_218 = arith.constant 0 : i32
      %dma_wait3A_219 = tpu.memref_slice %arg18[%add3A_72, %dma_wait3A_218] : memref<10000x128xf32, #tpu.memory_space<vmem_shared>> -> memref<128x128xf32, #tpu.memory_space<vmem_shared>>
      tpu.wait_dma2 semaphore(%run_scoped3A : memref<!tpu.dma_semaphore, #tpu.memory_space<semaphore_mem>>) src(%arg14 : memref<128x128xf32, #tpu.memory_space<vmem>>) dst(%dma_wait3A_219 : memref<128x128xf32, #tpu.memory_space<vmem_shared>>)
      tpu.yield
    }) : () -> ()
    %add3A_73 = arith.constant 384 : i32
    %add3A_74 = arith.addi %mul3A_66, %add3A_73 : i32
    "tpu.region"() ({
      %run_scoped3A = tpu.sem_alloc : memref<!tpu.dma_semaphore, #tpu.memory_space<semaphore_mem>>
      %dma_start3A_212 = arith.constant 0 : i32
      %dma_start3A_213 = tpu.memref_slice %arg18[%add3A_74, %dma_start3A_212] : memref<10000x128xf32, #tpu.memory_space<vmem_shared>> -> memref<128x128xf32, #tpu.memory_space<vmem_shared>>
      %dma_start3A_214 = arith.constant 0 : i32
      %dma_start3A_215 = tpu.memref_slice %arg18[%add3A_74, %dma_start3A_214] : memref<10000x128xf32, #tpu.memory_space<vmem_shared>> -> memref<128x128xf32, #tpu.memory_space<vmem_shared>>
      tpu.enqueue_dma source(%arg14 : memref<128x128xf32, #tpu.memory_space<vmem>>) target(%dma_start3A_215 : memref<128x128xf32, #tpu.memory_space<vmem_shared>>) target_semaphore(%run_scoped3A : memref<!tpu.dma_semaphore, #tpu.memory_space<semaphore_mem>>)
      %dma_wait3A_216 = arith.constant 0 : i32
      %dma_wait3A_217 = tpu.memref_slice %arg18[%add3A_74, %dma_wait3A_216] : memref<10000x128xf32, #tpu.memory_space<vmem_shared>> -> memref<128x128xf32, #tpu.memory_space<vmem_shared>>
      %dma_wait3A_218 = arith.constant 0 : i32
      %dma_wait3A_219 = tpu.memref_slice %arg18[%add3A_74, %dma_wait3A_218] : memref<10000x128xf32, #tpu.memory_space<vmem_shared>> -> memref<128x128xf32, #tpu.memory_space<vmem_shared>>
      tpu.wait_dma2 semaphore(%run_scoped3A : memref<!tpu.dma_semaphore, #tpu.memory_space<semaphore_mem>>) src(%arg14 : memref<128x128xf32, #tpu.memory_space<vmem>>) dst(%dma_wait3A_219 : memref<128x128xf32, #tpu.memory_space<vmem_shared>>)
      tpu.yield
    }) : () -> ()
    %add3A_75 = arith.constant 512 : i32
    %add3A_76 = arith.addi %mul3A_66, %add3A_75 : i32
    "tpu.region"() ({
      %run_scoped3A = tpu.sem_alloc : memref<!tpu.dma_semaphore, #tpu.memory_space<semaphore_mem>>
      %dma_start3A_212 = arith.constant 0 : i32
      %dma_start3A_213 = arith.constant 0 : i32
      %dma_start3A_214 = tpu.memref_slice %arg14[%dma_start3A_212, %dma_start3A_213] : memref<128x128xf32, #tpu.memory_space<vmem>> -> memref<112x128xf32, #tpu.memory_space<vmem>>
      %dma_start3A_215 = arith.constant 0 : i32
      %dma_start3A_216 = tpu.memref_slice %arg18[%add3A_76, %dma_start3A_215] : memref<10000x128xf32, #tpu.memory_space<vmem_shared>> -> memref<112x128xf32, #tpu.memory_space<vmem_shared>>
      %dma_start3A_217 = arith.constant 0 : i32
      %dma_start3A_218 = tpu.memref_slice %arg18[%add3A_76, %dma_start3A_217] : memref<10000x128xf32, #tpu.memory_space<vmem_shared>> -> memref<112x128xf32, #tpu.memory_space<vmem_shared>>
      %dma_start3A_219 = arith.constant 0 : i32
      %dma_start3A_220 = arith.constant 0 : i32
      %dma_start3A_221 = tpu.memref_slice %arg14[%dma_start3A_219, %dma_start3A_220] : memref<128x128xf32, #tpu.memory_space<vmem>> -> memref<112x128xf32, #tpu.memory_space<vmem>>
      tpu.enqueue_dma source(%dma_start3A_221 : memref<112x128xf32, #tpu.memory_space<vmem>>) target(%dma_start3A_218 : memref<112x128xf32, #tpu.memory_space<vmem_shared>>) target_semaphore(%run_scoped3A : memref<!tpu.dma_semaphore, #tpu.memory_space<semaphore_mem>>)
      %dma_wait3A_222 = arith.constant 0 : i32
      %dma_wait3A_223 = arith.constant 0 : i32
      %dma_wait3A_224 = tpu.memref_slice %arg14[%dma_wait3A_222, %dma_wait3A_223] : memref<128x128xf32, #tpu.memory_space<vmem>> -> memref<112x128xf32, #tpu.memory_space<vmem>>
      %dma_wait3A_225 = arith.constant 0 : i32
      %dma_wait3A_226 = tpu.memref_slice %arg18[%add3A_76, %dma_wait3A_225] : memref<10000x128xf32, #tpu.memory_space<vmem_shared>> -> memref<112x128xf32, #tpu.memory_space<vmem_shared>>
      %dma_wait3A_227 = arith.constant 0 : i32
      %dma_wait3A_228 = tpu.memref_slice %arg18[%add3A_76, %dma_wait3A_227] : memref<10000x128xf32, #tpu.memory_space<vmem_shared>> -> memref<112x128xf32, #tpu.memory_space<vmem_shared>>
      %dma_wait3A_229 = arith.constant 0 : i32
      %dma_wait3A_230 = arith.constant 0 : i32
      %dma_wait3A_231 = tpu.memref_slice %arg14[%dma_wait3A_229, %dma_wait3A_230] : memref<128x128xf32, #tpu.memory_space<vmem>> -> memref<112x128xf32, #tpu.memory_space<vmem>>
      tpu.wait_dma2 semaphore(%run_scoped3A : memref<!tpu.dma_semaphore, #tpu.memory_space<semaphore_mem>>) src(%dma_wait3A_231 : memref<112x128xf32, #tpu.memory_space<vmem>>) dst(%dma_wait3A_228 : memref<112x128xf32, #tpu.memory_space<vmem_shared>>)
      tpu.yield
    }) : () -> ()
    %eq3A = arith.constant 15 : i32
    %eq3A_77 = arith.cmpi eq, %arg1, %eq3A : i32
    %convert_element_type3A = arith.extui %eq3A_77 : i1 to i32
    %cond3A = arith.constant 0 : i32
    %cond3A_78 = arith.cmpi ne, %convert_element_type3A, %cond3A : i32
    scf.if %cond3A_78 {
      "tpu.region"() ({
        %run_scoped3A = tpu.sem_alloc : memref<!tpu.dma_semaphore, #tpu.memory_space<semaphore_mem>>
        %dma_start3A_212 = arith.constant 0 : i32
        %dma_start3A_213 = arith.constant 0 : i32
        %dma_start3A_214 = tpu.memref_slice %arg14[%dma_start3A_212, %dma_start3A_213] : memref<128x128xf32, #tpu.memory_space<vmem>> -> memref<16x128xf32, #tpu.memory_space<vmem>>
        %dma_start3A_215 = arith.constant 9984 : i32
        %dma_start3A_216 = arith.constant 0 : i32
        %dma_start3A_217 = tpu.memref_slice %arg18[%dma_start3A_215, %dma_start3A_216] : memref<10000x128xf32, #tpu.memory_space<vmem_shared>> -> memref<16x128xf32, #tpu.memory_space<vmem_shared>>
        %dma_start3A_218 = arith.constant 9984 : i32
        %dma_start3A_219 = arith.constant 0 : i32
        %dma_start3A_220 = tpu.memref_slice %arg18[%dma_start3A_218, %dma_start3A_219] : memref<10000x128xf32, #tpu.memory_space<vmem_shared>> -> memref<16x128xf32, #tpu.memory_space<vmem_shared>>
        %dma_start3A_221 = arith.constant 0 : i32
        %dma_start3A_222 = arith.constant 0 : i32
        %dma_start3A_223 = tpu.memref_slice %arg14[%dma_start3A_221, %dma_start3A_222] : memref<128x128xf32, #tpu.memory_space<vmem>> -> memref<16x128xf32, #tpu.memory_space<vmem>>
        tpu.enqueue_dma source(%dma_start3A_223 : memref<16x128xf32, #tpu.memory_space<vmem>>) target(%dma_start3A_220 : memref<16x128xf32, #tpu.memory_space<vmem_shared>>) target_semaphore(%run_scoped3A : memref<!tpu.dma_semaphore, #tpu.memory_space<semaphore_mem>>)
        %dma_wait3A_224 = arith.constant 0 : i32
        %dma_wait3A_225 = arith.constant 0 : i32
        %dma_wait3A_226 = tpu.memref_slice %arg14[%dma_wait3A_224, %dma_wait3A_225] : memref<128x128xf32, #tpu.memory_space<vmem>> -> memref<16x128xf32, #tpu.memory_space<vmem>>
        %dma_wait3A_227 = arith.constant 9984 : i32
        %dma_wait3A_228 = arith.constant 0 : i32
        %dma_wait3A_229 = tpu.memref_slice %arg18[%dma_wait3A_227, %dma_wait3A_228] : memref<10000x128xf32, #tpu.memory_space<vmem_shared>> -> memref<16x128xf32, #tpu.memory_space<vmem_shared>>
        %dma_wait3A_230 = arith.constant 9984 : i32
        %dma_wait3A_231 = arith.constant 0 : i32
        %dma_wait3A_232 = tpu.memref_slice %arg18[%dma_wait3A_230, %dma_wait3A_231] : memref<10000x128xf32, #tpu.memory_space<vmem_shared>> -> memref<16x128xf32, #tpu.memory_space<vmem_shared>>
        %dma_wait3A_233 = arith.constant 0 : i32
        %dma_wait3A_234 = arith.constant 0 : i32
        %dma_wait3A_235 = tpu.memref_slice %arg14[%dma_wait3A_233, %dma_wait3A_234] : memref<128x128xf32, #tpu.memory_space<vmem>> -> memref<16x128xf32, #tpu.memory_space<vmem>>
        tpu.wait_dma2 semaphore(%run_scoped3A : memref<!tpu.dma_semaphore, #tpu.memory_space<semaphore_mem>>) src(%dma_wait3A_235 : memref<16x128xf32, #tpu.memory_space<vmem>>) dst(%dma_wait3A_232 : memref<16x128xf32, #tpu.memory_space<vmem_shared>>)
        tpu.yield
      }) : () -> ()
    } else {
    }
    %barrier3A = arith.constant 0 : index
    tpu.barrier barrier_id(%barrier3A)
    %scan3A_79 = arith.constant 0 : i32
    %scan3A_80 = arith.constant 0 : i32
    %scan3A_81 = arith.constant 18 : i32
    %scan3A_82 = arith.addi %scan3A_80, %scan3A_81 : i32
    %scan3A_83 = arith.constant 1 : i32
    scf.for %scan3A_212 = %scan3A_80 to %scan3A_82 step %scan3A_83  : i32 {
      %mul3A_213 = arith.constant 4 : i32
      %mul3A_214 = arith.muli %scan3A_212, %mul3A_213 : i32
      %add3A_215 = arith.constant 0 : i32
      %add3A_216 = arith.addi %mul3A_214, %add3A_215 : i32
      %dma_wait3A_217 = arith.constant 0 : i32
      %dma_wait3A_218 = tpu.memref_slice %arg2[%dma_wait3A_217] : memref<640000xi32, #tpu.memory_space<hbm>> -> memref<128xi32, #tpu.memory_space<hbm>>
      %dma_wait3A_219 = arith.constant 0 : i32
      %dma_wait3A_220 = tpu.memref_slice %arg2[%dma_wait3A_219] : memref<640000xi32, #tpu.memory_space<hbm>> -> memref<128xi32, #tpu.memory_space<hbm>>
      tpu.wait_dma2 semaphore(%arg20 : memref<!tpu.dma_semaphore, #tpu.memory_space<semaphore_mem>>) src(%dma_wait3A_220 : memref<128xi32, #tpu.memory_space<hbm>>) dst(%arg6 : memref<128xi32, #tpu.memory_space<vmem>>)
      %dma_start3A_221 = arith.constant 0 : i32
      %dma_start3A_222 = arith.constant 0 : i32
      %dma_start3A_223 = tpu.memref_slice %arg3[%dma_start3A_221, %dma_start3A_222] : memref<10000x128xf32, #tpu.memory_space<hbm>> -> memref<10000x128xf32, #tpu.memory_space<hbm>>
      tpu.enqueue_indirect_dma source(%dma_start3A_223 : memref<10000x128xf32, #tpu.memory_space<hbm>>) target(%arg14 : memref<128x128xf32, #tpu.memory_space<vmem>>) offsets(%arg6 : memref<128xi32, #tpu.memory_space<vmem>>) semaphore(%arg28 : memref<!tpu.dma_semaphore, #tpu.memory_space<semaphore_mem>>)
      %dma_wait3A_224 = arith.constant 0 : i32
      %dma_wait3A_225 = arith.constant 0 : i32
      %dma_wait3A_226 = tpu.memref_slice %arg3[%dma_wait3A_224, %dma_wait3A_225] : memref<10000x128xf32, #tpu.memory_space<hbm>> -> memref<128x128xf32, #tpu.memory_space<hbm>>
      %dma_wait3A_227 = arith.constant 0 : i32
      %dma_wait3A_228 = arith.constant 0 : i32
      %dma_wait3A_229 = tpu.memref_slice %arg3[%dma_wait3A_227, %dma_wait3A_228] : memref<10000x128xf32, #tpu.memory_space<hbm>> -> memref<128x128xf32, #tpu.memory_space<hbm>>
      tpu.wait_dma2 semaphore(%arg27 : memref<!tpu.dma_semaphore, #tpu.memory_space<semaphore_mem>>) src(%dma_wait3A_229 : memref<128x128xf32, #tpu.memory_space<hbm>>) dst(%arg13 : memref<128x128xf32, #tpu.memory_space<vmem>>)
      %dma_wait3A_230 = arith.constant 0 : i32
      %dma_wait3A_231 = tpu.memref_slice %arg2[%dma_wait3A_230] : memref<640000xi32, #tpu.memory_space<hbm>> -> memref<128xi32, #tpu.memory_space<hbm>>
      %dma_wait3A_232 = arith.constant 0 : i32
      %dma_wait3A_233 = tpu.memref_slice %arg2[%dma_wait3A_232] : memref<640000xi32, #tpu.memory_space<hbm>> -> memref<128xi32, #tpu.memory_space<hbm>>
      tpu.wait_dma2 semaphore(%arg23 : memref<!tpu.dma_semaphore, #tpu.memory_space<semaphore_mem>>) src(%dma_wait3A_233 : memref<128xi32, #tpu.memory_space<hbm>>) dst(%arg9 : memref<128xi32, #tpu.memory_space<vmem>>)
      "tpu.region"() ({
        %run_scoped3A = tpu.sem_alloc : memref<!tpu.dma_semaphore, #tpu.memory_space<semaphore_mem>>
        %dma_start3A_339 = arith.constant 0 : i32
        %dma_start3A_340 = arith.constant 0 : i32
        %dma_start3A_341 = tpu.memref_slice %arg18[%dma_start3A_339, %dma_start3A_340] : memref<10000x128xf32, #tpu.memory_space<vmem_shared>> -> memref<10000x128xf32, #tpu.memory_space<vmem_shared>>
        tpu.enqueue_indirect_dma source(%arg13 : memref<128x128xf32, #tpu.memory_space<vmem>>) target(%dma_start3A_341 : memref<10000x128xf32, #tpu.memory_space<vmem_shared>>) offsets(%arg9 : memref<128xi32, #tpu.memory_space<vmem>>) semaphore(%run_scoped3A : memref<!tpu.dma_semaphore, #tpu.memory_space<semaphore_mem>>) {add = true}
        %dma_wait3A_342 = arith.constant 0 : i32
        %dma_wait3A_343 = arith.constant 0 : i32
        %dma_wait3A_344 = tpu.memref_slice %arg18[%dma_wait3A_342, %dma_wait3A_343] : memref<10000x128xf32, #tpu.memory_space<vmem_shared>> -> memref<10000x128xf32, #tpu.memory_space<vmem_shared>>
        tpu.wait_indirect_dma semaphore(%run_scoped3A : memref<!tpu.dma_semaphore, #tpu.memory_space<semaphore_mem>>) src(%arg13 : memref<128x128xf32, #tpu.memory_space<vmem>>) dst(%dma_wait3A_344 : memref<10000x128xf32, #tpu.memory_space<vmem_shared>>)
        tpu.yield
      }) : () -> ()
      %add3A_234 = arith.constant 4 : i32
      %add3A_235 = arith.addi %add3A_216, %add3A_234 : i32
      %mul3A_236 = arith.constant 128 : i32
      %mul3A_237 = arith.muli %mul3A_236, %add3A_235 : i32
      %add3A_238 = arith.addi %mul3A_2, %mul3A_237 : i32
      %dma_start3A_239 = tpu.memref_slice %arg2[%add3A_238] : memref<640000xi32, #tpu.memory_space<hbm>> -> memref<128xi32, #tpu.memory_space<hbm>>
      %dma_start3A_240 = tpu.memref_slice %arg2[%add3A_238] : memref<640000xi32, #tpu.memory_space<hbm>> -> memref<128xi32, #tpu.memory_space<hbm>>
      tpu.enqueue_dma source(%dma_start3A_240 : memref<128xi32, #tpu.memory_space<hbm>>) target(%arg5 : memref<128xi32, #tpu.memory_space<vmem>>) target_semaphore(%arg19 : memref<!tpu.dma_semaphore, #tpu.memory_space<semaphore_mem>>)
      %mul3A_241 = arith.constant 128 : i32
      %mul3A_242 = arith.muli %mul3A_241, %add3A_235 : i32
      %add3A_243 = arith.addi %add3A_6, %mul3A_242 : i32
      %dma_start3A_244 = tpu.memref_slice %arg2[%add3A_243] : memref<640000xi32, #tpu.memory_space<hbm>> -> memref<128xi32, #tpu.memory_space<hbm>>
      %dma_start3A_245 = tpu.memref_slice %arg2[%add3A_243] : memref<640000xi32, #tpu.memory_space<hbm>> -> memref<128xi32, #tpu.memory_space<hbm>>
      tpu.enqueue_dma source(%dma_start3A_245 : memref<128xi32, #tpu.memory_space<hbm>>) target(%arg9 : memref<128xi32, #tpu.memory_space<vmem>>) target_semaphore(%arg23 : memref<!tpu.dma_semaphore, #tpu.memory_space<semaphore_mem>>)
      %add3A_246 = arith.constant 1 : i32
      %add3A_247 = arith.addi %mul3A_214, %add3A_246 : i32
      %dma_wait3A_248 = arith.constant 0 : i32
      %dma_wait3A_249 = tpu.memref_slice %arg2[%dma_wait3A_248] : memref<640000xi32, #tpu.memory_space<hbm>> -> memref<128xi32, #tpu.memory_space<hbm>>
      %dma_wait3A_250 = arith.constant 0 : i32
      %dma_wait3A_251 = tpu.memref_slice %arg2[%dma_wait3A_250] : memref<640000xi32, #tpu.memory_space<hbm>> -> memref<128xi32, #tpu.memory_space<hbm>>
      tpu.wait_dma2 semaphore(%arg21 : memref<!tpu.dma_semaphore, #tpu.memory_space<semaphore_mem>>) src(%dma_wait3A_251 : memref<128xi32, #tpu.memory_space<hbm>>) dst(%arg7 : memref<128xi32, #tpu.memory_space<vmem>>)
      %dma_start3A_252 = arith.constant 0 : i32
      %dma_start3A_253 = arith.constant 0 : i32
      %dma_start3A_254 = tpu.memref_slice %arg3[%dma_start3A_252, %dma_start3A_253] : memref<10000x128xf32, #tpu.memory_space<hbm>> -> memref<10000x128xf32, #tpu.memory_space<hbm>>
      tpu.enqueue_indirect_dma source(%dma_start3A_254 : memref<10000x128xf32, #tpu.memory_space<hbm>>) target(%arg13 : memref<128x128xf32, #tpu.memory_space<vmem>>) offsets(%arg7 : memref<128xi32, #tpu.memory_space<vmem>>) semaphore(%arg27 : memref<!tpu.dma_semaphore, #tpu.memory_space<semaphore_mem>>)
      %dma_wait3A_255 = arith.constant 0 : i32
      %dma_wait3A_256 = arith.constant 0 : i32
      %dma_wait3A_257 = tpu.memref_slice %arg3[%dma_wait3A_255, %dma_wait3A_256] : memref<10000x128xf32, #tpu.memory_space<hbm>> -> memref<128x128xf32, #tpu.memory_space<hbm>>
      %dma_wait3A_258 = arith.constant 0 : i32
      %dma_wait3A_259 = arith.constant 0 : i32
      %dma_wait3A_260 = tpu.memref_slice %arg3[%dma_wait3A_258, %dma_wait3A_259] : memref<10000x128xf32, #tpu.memory_space<hbm>> -> memref<128x128xf32, #tpu.memory_space<hbm>>
      tpu.wait_dma2 semaphore(%arg28 : memref<!tpu.dma_semaphore, #tpu.memory_space<semaphore_mem>>) src(%dma_wait3A_260 : memref<128x128xf32, #tpu.memory_space<hbm>>) dst(%arg14 : memref<128x128xf32, #tpu.memory_space<vmem>>)
      %dma_wait3A_261 = arith.constant 0 : i32
      %dma_wait3A_262 = tpu.memref_slice %arg2[%dma_wait3A_261] : memref<640000xi32, #tpu.memory_space<hbm>> -> memref<128xi32, #tpu.memory_space<hbm>>
      %dma_wait3A_263 = arith.constant 0 : i32
      %dma_wait3A_264 = tpu.memref_slice %arg2[%dma_wait3A_263] : memref<640000xi32, #tpu.memory_space<hbm>> -> memref<128xi32, #tpu.memory_space<hbm>>
      tpu.wait_dma2 semaphore(%arg24 : memref<!tpu.dma_semaphore, #tpu.memory_space<semaphore_mem>>) src(%dma_wait3A_264 : memref<128xi32, #tpu.memory_space<hbm>>) dst(%arg10 : memref<128xi32, #tpu.memory_space<vmem>>)
      "tpu.region"() ({
        %run_scoped3A = tpu.sem_alloc : memref<!tpu.dma_semaphore, #tpu.memory_space<semaphore_mem>>
        %dma_start3A_339 = arith.constant 0 : i32
        %dma_start3A_340 = arith.constant 0 : i32
        %dma_start3A_341 = tpu.memref_slice %arg18[%dma_start3A_339, %dma_start3A_340] : memref<10000x128xf32, #tpu.memory_space<vmem_shared>> -> memref<10000x128xf32, #tpu.memory_space<vmem_shared>>
        tpu.enqueue_indirect_dma source(%arg14 : memref<128x128xf32, #tpu.memory_space<vmem>>) target(%dma_start3A_341 : memref<10000x128xf32, #tpu.memory_space<vmem_shared>>) offsets(%arg10 : memref<128xi32, #tpu.memory_space<vmem>>) semaphore(%run_scoped3A : memref<!tpu.dma_semaphore, #tpu.memory_space<semaphore_mem>>) {add = true}
        %dma_wait3A_342 = arith.constant 0 : i32
        %dma_wait3A_343 = arith.constant 0 : i32
        %dma_wait3A_344 = tpu.memref_slice %arg18[%dma_wait3A_342, %dma_wait3A_343] : memref<10000x128xf32, #tpu.memory_space<vmem_shared>> -> memref<10000x128xf32, #tpu.memory_space<vmem_shared>>
        tpu.wait_indirect_dma semaphore(%run_scoped3A : memref<!tpu.dma_semaphore, #tpu.memory_space<semaphore_mem>>) src(%arg14 : memref<128x128xf32, #tpu.memory_space<vmem>>) dst(%dma_wait3A_344 : memref<10000x128xf32, #tpu.memory_space<vmem_shared>>)
        tpu.yield
      }) : () -> ()
      %add3A_265 = arith.constant 4 : i32
      %add3A_266 = arith.addi %add3A_247, %add3A_265 : i32
      %mul3A_267 = arith.constant 128 : i32
      %mul3A_268 = arith.muli %mul3A_267, %add3A_266 : i32
      %add3A_269 = arith.addi %mul3A_2, %mul3A_268 : i32
      %dma_start3A_270 = tpu.memref_slice %arg2[%add3A_269] : memref<640000xi32, #tpu.memory_space<hbm>> -> memref<128xi32, #tpu.memory_space<hbm>>
      %dma_start3A_271 = tpu.memref_slice %arg2[%add3A_269] : memref<640000xi32, #tpu.memory_space<hbm>> -> memref<128xi32, #tpu.memory_space<hbm>>
      tpu.enqueue_dma source(%dma_start3A_271 : memref<128xi32, #tpu.memory_space<hbm>>) target(%arg6 : memref<128xi32, #tpu.memory_space<vmem>>) target_semaphore(%arg20 : memref<!tpu.dma_semaphore, #tpu.memory_space<semaphore_mem>>)
      %mul3A_272 = arith.constant 128 : i32
      %mul3A_273 = arith.muli %mul3A_272, %add3A_266 : i32
      %add3A_274 = arith.addi %add3A_6, %mul3A_273 : i32
      %dma_start3A_275 = tpu.memref_slice %arg2[%add3A_274] : memref<640000xi32, #tpu.memory_space<hbm>> -> memref<128xi32, #tpu.memory_space<hbm>>
      %dma_start3A_276 = tpu.memref_slice %arg2[%add3A_274] : memref<640000xi32, #tpu.memory_space<hbm>> -> memref<128xi32, #tpu.memory_space<hbm>>
      tpu.enqueue_dma source(%dma_start3A_276 : memref<128xi32, #tpu.memory_space<hbm>>) target(%arg10 : memref<128xi32, #tpu.memory_space<vmem>>) target_semaphore(%arg24 : memref<!tpu.dma_semaphore, #tpu.memory_space<semaphore_mem>>)
      %add3A_277 = arith.constant 2 : i32
      %add3A_278 = arith.addi %mul3A_214, %add3A_277 : i32
      %dma_wait3A_279 = arith.constant 0 : i32
      %dma_wait3A_280 = tpu.memref_slice %arg2[%dma_wait3A_279] : memref<640000xi32, #tpu.memory_space<hbm>> -> memref<128xi32, #tpu.memory_space<hbm>>
      %dma_wait3A_281 = arith.constant 0 : i32
      %dma_wait3A_282 = tpu.memref_slice %arg2[%dma_wait3A_281] : memref<640000xi32, #tpu.memory_space<hbm>> -> memref<128xi32, #tpu.memory_space<hbm>>
      tpu.wait_dma2 semaphore(%arg22 : memref<!tpu.dma_semaphore, #tpu.memory_space<semaphore_mem>>) src(%dma_wait3A_282 : memref<128xi32, #tpu.memory_space<hbm>>) dst(%arg8 : memref<128xi32, #tpu.memory_space<vmem>>)
      %dma_start3A_283 = arith.constant 0 : i32
      %dma_start3A_284 = arith.constant 0 : i32
      %dma_start3A_285 = tpu.memref_slice %arg3[%dma_start3A_283, %dma_start3A_284] : memref<10000x128xf32, #tpu.memory_space<hbm>> -> memref<10000x128xf32, #tpu.memory_space<hbm>>
      tpu.enqueue_indirect_dma source(%dma_start3A_285 : memref<10000x128xf32, #tpu.memory_space<hbm>>) target(%arg14 : memref<128x128xf32, #tpu.memory_space<vmem>>) offsets(%arg8 : memref<128xi32, #tpu.memory_space<vmem>>) semaphore(%arg28 : memref<!tpu.dma_semaphore, #tpu.memory_space<semaphore_mem>>)
      %dma_wait3A_286 = arith.constant 0 : i32
      %dma_wait3A_287 = arith.constant 0 : i32
      %dma_wait3A_288 = tpu.memref_slice %arg3[%dma_wait3A_286, %dma_wait3A_287] : memref<10000x128xf32, #tpu.memory_space<hbm>> -> memref<128x128xf32, #tpu.memory_space<hbm>>
      %dma_wait3A_289 = arith.constant 0 : i32
      %dma_wait3A_290 = arith.constant 0 : i32
      %dma_wait3A_291 = tpu.memref_slice %arg3[%dma_wait3A_289, %dma_wait3A_290] : memref<10000x128xf32, #tpu.memory_space<hbm>> -> memref<128x128xf32, #tpu.memory_space<hbm>>
      tpu.wait_dma2 semaphore(%arg27 : memref<!tpu.dma_semaphore, #tpu.memory_space<semaphore_mem>>) src(%dma_wait3A_291 : memref<128x128xf32, #tpu.memory_space<hbm>>) dst(%arg13 : memref<128x128xf32, #tpu.memory_space<vmem>>)
      %dma_wait3A_292 = arith.constant 0 : i32
      %dma_wait3A_293 = tpu.memref_slice %arg2[%dma_wait3A_292] : memref<640000xi32, #tpu.memory_space<hbm>> -> memref<128xi32, #tpu.memory_space<hbm>>
      %dma_wait3A_294 = arith.constant 0 : i32
      %dma_wait3A_295 = tpu.memref_slice %arg2[%dma_wait3A_294] : memref<640000xi32, #tpu.memory_space<hbm>> -> memref<128xi32, #tpu.memory_space<hbm>>
      tpu.wait_dma2 semaphore(%arg25 : memref<!tpu.dma_semaphore, #tpu.memory_space<semaphore_mem>>) src(%dma_wait3A_295 : memref<128xi32, #tpu.memory_space<hbm>>) dst(%arg11 : memref<128xi32, #tpu.memory_space<vmem>>)
      "tpu.region"() ({
        %run_scoped3A = tpu.sem_alloc : memref<!tpu.dma_semaphore, #tpu.memory_space<semaphore_mem>>
        %dma_start3A_339 = arith.constant 0 : i32
        %dma_start3A_340 = arith.constant 0 : i32
        %dma_start3A_341 = tpu.memref_slice %arg18[%dma_start3A_339, %dma_start3A_340] : memref<10000x128xf32, #tpu.memory_space<vmem_shared>> -> memref<10000x128xf32, #tpu.memory_space<vmem_shared>>
        tpu.enqueue_indirect_dma source(%arg13 : memref<128x128xf32, #tpu.memory_space<vmem>>) target(%dma_start3A_341 : memref<10000x128xf32, #tpu.memory_space<vmem_shared>>) offsets(%arg11 : memref<128xi32, #tpu.memory_space<vmem>>) semaphore(%run_scoped3A : memref<!tpu.dma_semaphore, #tpu.memory_space<semaphore_mem>>) {add = true}
        %dma_wait3A_342 = arith.constant 0 : i32
        %dma_wait3A_343 = arith.constant 0 : i32
        %dma_wait3A_344 = tpu.memref_slice %arg18[%dma_wait3A_342, %dma_wait3A_343] : memref<10000x128xf32, #tpu.memory_space<vmem_shared>> -> memref<10000x128xf32, #tpu.memory_space<vmem_shared>>
        tpu.wait_indirect_dma semaphore(%run_scoped3A : memref<!tpu.dma_semaphore, #tpu.memory_space<semaphore_mem>>) src(%arg13 : memref<128x128xf32, #tpu.memory_space<vmem>>) dst(%dma_wait3A_344 : memref<10000x128xf32, #tpu.memory_space<vmem_shared>>)
        tpu.yield
      }) : () -> ()
      %add3A_296 = arith.constant 4 : i32
      %add3A_297 = arith.addi %add3A_278, %add3A_296 : i32
      %mul3A_298 = arith.constant 128 : i32
      %mul3A_299 = arith.muli %mul3A_298, %add3A_297 : i32
      %add3A_300 = arith.addi %mul3A_2, %mul3A_299 : i32
      %dma_start3A_301 = tpu.memref_slice %arg2[%add3A_300] : memref<640000xi32, #tpu.memory_space<hbm>> -> memref<128xi32, #tpu.memory_space<hbm>>
      %dma_start3A_302 = tpu.memref_slice %arg2[%add3A_300] : memref<640000xi32, #tpu.memory_space<hbm>> -> memref<128xi32, #tpu.memory_space<hbm>>
      tpu.enqueue_dma source(%dma_start3A_302 : memref<128xi32, #tpu.memory_space<hbm>>) target(%arg7 : memref<128xi32, #tpu.memory_space<vmem>>) target_semaphore(%arg21 : memref<!tpu.dma_semaphore, #tpu.memory_space<semaphore_mem>>)
      %mul3A_303 = arith.constant 128 : i32
      %mul3A_304 = arith.muli %mul3A_303, %add3A_297 : i32
      %add3A_305 = arith.addi %add3A_6, %mul3A_304 : i32
      %dma_start3A_306 = tpu.memref_slice %arg2[%add3A_305] : memref<640000xi32, #tpu.memory_space<hbm>> -> memref<128xi32, #tpu.memory_space<hbm>>
      %dma_start3A_307 = tpu.memref_slice %arg2[%add3A_305] : memref<640000xi32, #tpu.memory_space<hbm>> -> memref<128xi32, #tpu.memory_space<hbm>>
      tpu.enqueue_dma source(%dma_start3A_307 : memref<128xi32, #tpu.memory_space<hbm>>) target(%arg11 : memref<128xi32, #tpu.memory_space<vmem>>) target_semaphore(%arg25 : memref<!tpu.dma_semaphore, #tpu.memory_space<semaphore_mem>>)
      %add3A_308 = arith.constant 3 : i32
      %add3A_309 = arith.addi %mul3A_214, %add3A_308 : i32
      %dma_wait3A_310 = arith.constant 0 : i32
      %dma_wait3A_311 = tpu.memref_slice %arg2[%dma_wait3A_310] : memref<640000xi32, #tpu.memory_space<hbm>> -> memref<128xi32, #tpu.memory_space<hbm>>
      %dma_wait3A_312 = arith.constant 0 : i32
      %dma_wait3A_313 = tpu.memref_slice %arg2[%dma_wait3A_312] : memref<640000xi32, #tpu.memory_space<hbm>> -> memref<128xi32, #tpu.memory_space<hbm>>
      tpu.wait_dma2 semaphore(%arg19 : memref<!tpu.dma_semaphore, #tpu.memory_space<semaphore_mem>>) src(%dma_wait3A_313 : memref<128xi32, #tpu.memory_space<hbm>>) dst(%arg5 : memref<128xi32, #tpu.memory_space<vmem>>)
      %dma_start3A_314 = arith.constant 0 : i32
      %dma_start3A_315 = arith.constant 0 : i32
      %dma_start3A_316 = tpu.memref_slice %arg3[%dma_start3A_314, %dma_start3A_315] : memref<10000x128xf32, #tpu.memory_space<hbm>> -> memref<10000x128xf32, #tpu.memory_space<hbm>>
      tpu.enqueue_indirect_dma source(%dma_start3A_316 : memref<10000x128xf32, #tpu.memory_space<hbm>>) target(%arg13 : memref<128x128xf32, #tpu.memory_space<vmem>>) offsets(%arg5 : memref<128xi32, #tpu.memory_space<vmem>>) semaphore(%arg27 : memref<!tpu.dma_semaphore, #tpu.memory_space<semaphore_mem>>)
      %dma_wait3A_317 = arith.constant 0 : i32
      %dma_wait3A_318 = arith.constant 0 : i32
      %dma_wait3A_319 = tpu.memref_slice %arg3[%dma_wait3A_317, %dma_wait3A_318] : memref<10000x128xf32, #tpu.memory_space<hbm>> -> memref<128x128xf32, #tpu.memory_space<hbm>>
      %dma_wait3A_320 = arith.constant 0 : i32
      %dma_wait3A_321 = arith.constant 0 : i32
      %dma_wait3A_322 = tpu.memref_slice %arg3[%dma_wait3A_320, %dma_wait3A_321] : memref<10000x128xf32, #tpu.memory_space<hbm>> -> memref<128x128xf32, #tpu.memory_space<hbm>>
      tpu.wait_dma2 semaphore(%arg28 : memref<!tpu.dma_semaphore, #tpu.memory_space<semaphore_mem>>) src(%dma_wait3A_322 : memref<128x128xf32, #tpu.memory_space<hbm>>) dst(%arg14 : memref<128x128xf32, #tpu.memory_space<vmem>>)
      %dma_wait3A_323 = arith.constant 0 : i32
      %dma_wait3A_324 = tpu.memref_slice %arg2[%dma_wait3A_323] : memref<640000xi32, #tpu.memory_space<hbm>> -> memref<128xi32, #tpu.memory_space<hbm>>
      %dma_wait3A_325 = arith.constant 0 : i32
      %dma_wait3A_326 = tpu.memref_slice %arg2[%dma_wait3A_325] : memref<640000xi32, #tpu.memory_space<hbm>> -> memref<128xi32, #tpu.memory_space<hbm>>
      tpu.wait_dma2 semaphore(%arg26 : memref<!tpu.dma_semaphore, #tpu.memory_space<semaphore_mem>>) src(%dma_wait3A_326 : memref<128xi32, #tpu.memory_space<hbm>>) dst(%arg12 : memref<128xi32, #tpu.memory_space<vmem>>)
      "tpu.region"() ({
        %run_scoped3A = tpu.sem_alloc : memref<!tpu.dma_semaphore, #tpu.memory_space<semaphore_mem>>
        %dma_start3A_339 = arith.constant 0 : i32
        %dma_start3A_340 = arith.constant 0 : i32
        %dma_start3A_341 = tpu.memref_slice %arg18[%dma_start3A_339, %dma_start3A_340] : memref<10000x128xf32, #tpu.memory_space<vmem_shared>> -> memref<10000x128xf32, #tpu.memory_space<vmem_shared>>
        tpu.enqueue_indirect_dma source(%arg14 : memref<128x128xf32, #tpu.memory_space<vmem>>) target(%dma_start3A_341 : memref<10000x128xf32, #tpu.memory_space<vmem_shared>>) offsets(%arg12 : memref<128xi32, #tpu.memory_space<vmem>>) semaphore(%run_scoped3A : memref<!tpu.dma_semaphore, #tpu.memory_space<semaphore_mem>>) {add = true}
        %dma_wait3A_342 = arith.constant 0 : i32
        %dma_wait3A_343 = arith.constant 0 : i32
        %dma_wait3A_344 = tpu.memref_slice %arg18[%dma_wait3A_342, %dma_wait3A_343] : memref<10000x128xf32, #tpu.memory_space<vmem_shared>> -> memref<10000x128xf32, #tpu.memory_space<vmem_shared>>
        tpu.wait_indirect_dma semaphore(%run_scoped3A : memref<!tpu.dma_semaphore, #tpu.memory_space<semaphore_mem>>) src(%arg14 : memref<128x128xf32, #tpu.memory_space<vmem>>) dst(%dma_wait3A_344 : memref<10000x128xf32, #tpu.memory_space<vmem_shared>>)
        tpu.yield
      }) : () -> ()
      %add3A_327 = arith.constant 4 : i32
      %add3A_328 = arith.addi %add3A_309, %add3A_327 : i32
      %mul3A_329 = arith.constant 128 : i32
      %mul3A_330 = arith.muli %mul3A_329, %add3A_328 : i32
      %add3A_331 = arith.addi %mul3A_2, %mul3A_330 : i32
      %dma_start3A_332 = tpu.memref_slice %arg2[%add3A_331] : memref<640000xi32, #tpu.memory_space<hbm>> -> memref<128xi32, #tpu.memory_space<hbm>>
      %dma_start3A_333 = tpu.memref_slice %arg2[%add3A_331] : memref<640000xi32, #tpu.memory_space<hbm>> -> memref<128xi32, #tpu.memory_space<hbm>>
      tpu.enqueue_dma source(%dma_start3A_333 : memref<128xi32, #tpu.memory_space<hbm>>) target(%arg8 : memref<128xi32, #tpu.memory_space<vmem>>) target_semaphore(%arg22 : memref<!tpu.dma_semaphore, #tpu.memory_space<semaphore_mem>>)
      %mul3A_334 = arith.constant 128 : i32
      %mul3A_335 = arith.muli %mul3A_334, %add3A_328 : i32
      %add3A_336 = arith.addi %add3A_6, %mul3A_335 : i32
      %dma_start3A_337 = tpu.memref_slice %arg2[%add3A_336] : memref<640000xi32, #tpu.memory_space<hbm>> -> memref<128xi32, #tpu.memory_space<hbm>>
      %dma_start3A_338 = tpu.memref_slice %arg2[%add3A_336] : memref<640000xi32, #tpu.memory_space<hbm>> -> memref<128xi32, #tpu.memory_space<hbm>>
      tpu.enqueue_dma source(%dma_start3A_338 : memref<128xi32, #tpu.memory_space<hbm>>) target(%arg12 : memref<128xi32, #tpu.memory_space<vmem>>) target_semaphore(%arg26 : memref<!tpu.dma_semaphore, #tpu.memory_space<semaphore_mem>>)
    }
    %scan3A_84 = arith.constant 18 : i32
    %dma_wait3A_85 = arith.constant 0 : i32
    %dma_wait3A_86 = tpu.memref_slice %arg2[%dma_wait3A_85] : memref<640000xi32, #tpu.memory_space<hbm>> -> memref<128xi32, #tpu.memory_space<hbm>>
    %dma_wait3A_87 = arith.constant 0 : i32
    %dma_wait3A_88 = tpu.memref_slice %arg2[%dma_wait3A_87] : memref<640000xi32, #tpu.memory_space<hbm>> -> memref<128xi32, #tpu.memory_space<hbm>>
    tpu.wait_dma2 semaphore(%arg20 : memref<!tpu.dma_semaphore, #tpu.memory_space<semaphore_mem>>) src(%dma_wait3A_88 : memref<128xi32, #tpu.memory_space<hbm>>) dst(%arg6 : memref<128xi32, #tpu.memory_space<vmem>>)
    %dma_start3A_89 = arith.constant 0 : i32
    %dma_start3A_90 = arith.constant 0 : i32
    %dma_start3A_91 = tpu.memref_slice %arg3[%dma_start3A_89, %dma_start3A_90] : memref<10000x128xf32, #tpu.memory_space<hbm>> -> memref<10000x128xf32, #tpu.memory_space<hbm>>
    tpu.enqueue_indirect_dma source(%dma_start3A_91 : memref<10000x128xf32, #tpu.memory_space<hbm>>) target(%arg14 : memref<128x128xf32, #tpu.memory_space<vmem>>) offsets(%arg6 : memref<128xi32, #tpu.memory_space<vmem>>) semaphore(%arg28 : memref<!tpu.dma_semaphore, #tpu.memory_space<semaphore_mem>>)
    %dma_wait3A_92 = arith.constant 0 : i32
    %dma_wait3A_93 = arith.constant 0 : i32
    %dma_wait3A_94 = tpu.memref_slice %arg3[%dma_wait3A_92, %dma_wait3A_93] : memref<10000x128xf32, #tpu.memory_space<hbm>> -> memref<128x128xf32, #tpu.memory_space<hbm>>
    %dma_wait3A_95 = arith.constant 0 : i32
    %dma_wait3A_96 = arith.constant 0 : i32
    %dma_wait3A_97 = tpu.memref_slice %arg3[%dma_wait3A_95, %dma_wait3A_96] : memref<10000x128xf32, #tpu.memory_space<hbm>> -> memref<128x128xf32, #tpu.memory_space<hbm>>
    tpu.wait_dma2 semaphore(%arg27 : memref<!tpu.dma_semaphore, #tpu.memory_space<semaphore_mem>>) src(%dma_wait3A_97 : memref<128x128xf32, #tpu.memory_space<hbm>>) dst(%arg13 : memref<128x128xf32, #tpu.memory_space<vmem>>)
    %dma_wait3A_98 = arith.constant 0 : i32
    %dma_wait3A_99 = tpu.memref_slice %arg2[%dma_wait3A_98] : memref<640000xi32, #tpu.memory_space<hbm>> -> memref<128xi32, #tpu.memory_space<hbm>>
    %dma_wait3A_100 = arith.constant 0 : i32
    %dma_wait3A_101 = tpu.memref_slice %arg2[%dma_wait3A_100] : memref<640000xi32, #tpu.memory_space<hbm>> -> memref<128xi32, #tpu.memory_space<hbm>>
    tpu.wait_dma2 semaphore(%arg23 : memref<!tpu.dma_semaphore, #tpu.memory_space<semaphore_mem>>) src(%dma_wait3A_101 : memref<128xi32, #tpu.memory_space<hbm>>) dst(%arg9 : memref<128xi32, #tpu.memory_space<vmem>>)
    "tpu.region"() ({
      %run_scoped3A = tpu.sem_alloc : memref<!tpu.dma_semaphore, #tpu.memory_space<semaphore_mem>>
      %dma_start3A_212 = arith.constant 0 : i32
      %dma_start3A_213 = arith.constant 0 : i32
      %dma_start3A_214 = tpu.memref_slice %arg18[%dma_start3A_212, %dma_start3A_213] : memref<10000x128xf32, #tpu.memory_space<vmem_shared>> -> memref<10000x128xf32, #tpu.memory_space<vmem_shared>>
      tpu.enqueue_indirect_dma source(%arg13 : memref<128x128xf32, #tpu.memory_space<vmem>>) target(%dma_start3A_214 : memref<10000x128xf32, #tpu.memory_space<vmem_shared>>) offsets(%arg9 : memref<128xi32, #tpu.memory_space<vmem>>) semaphore(%run_scoped3A : memref<!tpu.dma_semaphore, #tpu.memory_space<semaphore_mem>>) {add = true}
      %dma_wait3A_215 = arith.constant 0 : i32
      %dma_wait3A_216 = arith.constant 0 : i32
      %dma_wait3A_217 = tpu.memref_slice %arg18[%dma_wait3A_215, %dma_wait3A_216] : memref<10000x128xf32, #tpu.memory_space<vmem_shared>> -> memref<10000x128xf32, #tpu.memory_space<vmem_shared>>
      tpu.wait_indirect_dma semaphore(%run_scoped3A : memref<!tpu.dma_semaphore, #tpu.memory_space<semaphore_mem>>) src(%arg13 : memref<128x128xf32, #tpu.memory_space<vmem>>) dst(%dma_wait3A_217 : memref<10000x128xf32, #tpu.memory_space<vmem_shared>>)
      tpu.yield
    }) : () -> ()
    %add3A_102 = arith.constant 9728 : i32
    %add3A_103 = arith.addi %mul3A_2, %add3A_102 : i32
    %dma_start3A_104 = tpu.memref_slice %arg2[%add3A_103] : memref<640000xi32, #tpu.memory_space<hbm>> -> memref<128xi32, #tpu.memory_space<hbm>>
    %dma_start3A_105 = tpu.memref_slice %arg2[%add3A_103] : memref<640000xi32, #tpu.memory_space<hbm>> -> memref<128xi32, #tpu.memory_space<hbm>>
    tpu.enqueue_dma source(%dma_start3A_105 : memref<128xi32, #tpu.memory_space<hbm>>) target(%arg5 : memref<128xi32, #tpu.memory_space<vmem>>) target_semaphore(%arg19 : memref<!tpu.dma_semaphore, #tpu.memory_space<semaphore_mem>>)
    %add3A_106 = arith.constant 9728 : i32
    %add3A_107 = arith.addi %add3A_6, %add3A_106 : i32
    %dma_start3A_108 = tpu.memref_slice %arg2[%add3A_107] : memref<640000xi32, #tpu.memory_space<hbm>> -> memref<128xi32, #tpu.memory_space<hbm>>
    %dma_start3A_109 = tpu.memref_slice %arg2[%add3A_107] : memref<640000xi32, #tpu.memory_space<hbm>> -> memref<128xi32, #tpu.memory_space<hbm>>
    tpu.enqueue_dma source(%dma_start3A_109 : memref<128xi32, #tpu.memory_space<hbm>>) target(%arg9 : memref<128xi32, #tpu.memory_space<vmem>>) target_semaphore(%arg23 : memref<!tpu.dma_semaphore, #tpu.memory_space<semaphore_mem>>)
    %dma_wait3A_110 = arith.constant 0 : i32
    %dma_wait3A_111 = tpu.memref_slice %arg2[%dma_wait3A_110] : memref<640000xi32, #tpu.memory_space<hbm>> -> memref<128xi32, #tpu.memory_space<hbm>>
    %dma_wait3A_112 = arith.constant 0 : i32
    %dma_wait3A_113 = tpu.memref_slice %arg2[%dma_wait3A_112] : memref<640000xi32, #tpu.memory_space<hbm>> -> memref<128xi32, #tpu.memory_space<hbm>>
    tpu.wait_dma2 semaphore(%arg21 : memref<!tpu.dma_semaphore, #tpu.memory_space<semaphore_mem>>) src(%dma_wait3A_113 : memref<128xi32, #tpu.memory_space<hbm>>) dst(%arg7 : memref<128xi32, #tpu.memory_space<vmem>>)
    %dma_start3A_114 = arith.constant 0 : i32
    %dma_start3A_115 = arith.constant 0 : i32
    %dma_start3A_116 = tpu.memref_slice %arg3[%dma_start3A_114, %dma_start3A_115] : memref<10000x128xf32, #tpu.memory_space<hbm>> -> memref<10000x128xf32, #tpu.memory_space<hbm>>
    tpu.enqueue_indirect_dma source(%dma_start3A_116 : memref<10000x128xf32, #tpu.memory_space<hbm>>) target(%arg13 : memref<128x128xf32, #tpu.memory_space<vmem>>) offsets(%arg7 : memref<128xi32, #tpu.memory_space<vmem>>) semaphore(%arg27 : memref<!tpu.dma_semaphore, #tpu.memory_space<semaphore_mem>>)
    %dma_wait3A_117 = arith.constant 0 : i32
    %dma_wait3A_118 = arith.constant 0 : i32
    %dma_wait3A_119 = tpu.memref_slice %arg3[%dma_wait3A_117, %dma_wait3A_118] : memref<10000x128xf32, #tpu.memory_space<hbm>> -> memref<128x128xf32, #tpu.memory_space<hbm>>
    %dma_wait3A_120 = arith.constant 0 : i32
    %dma_wait3A_121 = arith.constant 0 : i32
    %dma_wait3A_122 = tpu.memref_slice %arg3[%dma_wait3A_120, %dma_wait3A_121] : memref<10000x128xf32, #tpu.memory_space<hbm>> -> memref<128x128xf32, #tpu.memory_space<hbm>>
    tpu.wait_dma2 semaphore(%arg28 : memref<!tpu.dma_semaphore, #tpu.memory_space<semaphore_mem>>) src(%dma_wait3A_122 : memref<128x128xf32, #tpu.memory_space<hbm>>) dst(%arg14 : memref<128x128xf32, #tpu.memory_space<vmem>>)
    %dma_wait3A_123 = arith.constant 0 : i32
    %dma_wait3A_124 = tpu.memref_slice %arg2[%dma_wait3A_123] : memref<640000xi32, #tpu.memory_space<hbm>> -> memref<128xi32, #tpu.memory_space<hbm>>
    %dma_wait3A_125 = arith.constant 0 : i32
    %dma_wait3A_126 = tpu.memref_slice %arg2[%dma_wait3A_125] : memref<640000xi32, #tpu.memory_space<hbm>> -> memref<128xi32, #tpu.memory_space<hbm>>
    tpu.wait_dma2 semaphore(%arg24 : memref<!tpu.dma_semaphore, #tpu.memory_space<semaphore_mem>>) src(%dma_wait3A_126 : memref<128xi32, #tpu.memory_space<hbm>>) dst(%arg10 : memref<128xi32, #tpu.memory_space<vmem>>)
    "tpu.region"() ({
      %run_scoped3A = tpu.sem_alloc : memref<!tpu.dma_semaphore, #tpu.memory_space<semaphore_mem>>
      %dma_start3A_212 = arith.constant 0 : i32
      %dma_start3A_213 = arith.constant 0 : i32
      %dma_start3A_214 = tpu.memref_slice %arg18[%dma_start3A_212, %dma_start3A_213] : memref<10000x128xf32, #tpu.memory_space<vmem_shared>> -> memref<10000x128xf32, #tpu.memory_space<vmem_shared>>
      tpu.enqueue_indirect_dma source(%arg14 : memref<128x128xf32, #tpu.memory_space<vmem>>) target(%dma_start3A_214 : memref<10000x128xf32, #tpu.memory_space<vmem_shared>>) offsets(%arg10 : memref<128xi32, #tpu.memory_space<vmem>>) semaphore(%run_scoped3A : memref<!tpu.dma_semaphore, #tpu.memory_space<semaphore_mem>>) {add = true}
      %dma_wait3A_215 = arith.constant 0 : i32
      %dma_wait3A_216 = arith.constant 0 : i32
      %dma_wait3A_217 = tpu.memref_slice %arg18[%dma_wait3A_215, %dma_wait3A_216] : memref<10000x128xf32, #tpu.memory_space<vmem_shared>> -> memref<10000x128xf32, #tpu.memory_space<vmem_shared>>
      tpu.wait_indirect_dma semaphore(%run_scoped3A : memref<!tpu.dma_semaphore, #tpu.memory_space<semaphore_mem>>) src(%arg14 : memref<128x128xf32, #tpu.memory_space<vmem>>) dst(%dma_wait3A_217 : memref<10000x128xf32, #tpu.memory_space<vmem_shared>>)
      tpu.yield
    }) : () -> ()
    %add3A_127 = arith.constant 9856 : i32
    %add3A_128 = arith.addi %mul3A_2, %add3A_127 : i32
    %dma_start3A_129 = tpu.memref_slice %arg2[%add3A_128] : memref<640000xi32, #tpu.memory_space<hbm>> -> memref<128xi32, #tpu.memory_space<hbm>>
    %dma_start3A_130 = tpu.memref_slice %arg2[%add3A_128] : memref<640000xi32, #tpu.memory_space<hbm>> -> memref<128xi32, #tpu.memory_space<hbm>>
    tpu.enqueue_dma source(%dma_start3A_130 : memref<128xi32, #tpu.memory_space<hbm>>) target(%arg6 : memref<128xi32, #tpu.memory_space<vmem>>) target_semaphore(%arg20 : memref<!tpu.dma_semaphore, #tpu.memory_space<semaphore_mem>>)
    %add3A_131 = arith.constant 9856 : i32
    %add3A_132 = arith.addi %add3A_6, %add3A_131 : i32
    %dma_start3A_133 = tpu.memref_slice %arg2[%add3A_132] : memref<640000xi32, #tpu.memory_space<hbm>> -> memref<128xi32, #tpu.memory_space<hbm>>
    %dma_start3A_134 = tpu.memref_slice %arg2[%add3A_132] : memref<640000xi32, #tpu.memory_space<hbm>> -> memref<128xi32, #tpu.memory_space<hbm>>
    tpu.enqueue_dma source(%dma_start3A_134 : memref<128xi32, #tpu.memory_space<hbm>>) target(%arg10 : memref<128xi32, #tpu.memory_space<vmem>>) target_semaphore(%arg24 : memref<!tpu.dma_semaphore, #tpu.memory_space<semaphore_mem>>)
    %dma_wait3A_135 = arith.constant 0 : i32
    %dma_wait3A_136 = tpu.memref_slice %arg2[%dma_wait3A_135] : memref<640000xi32, #tpu.memory_space<hbm>> -> memref<128xi32, #tpu.memory_space<hbm>>
    %dma_wait3A_137 = arith.constant 0 : i32
    %dma_wait3A_138 = tpu.memref_slice %arg2[%dma_wait3A_137] : memref<640000xi32, #tpu.memory_space<hbm>> -> memref<128xi32, #tpu.memory_space<hbm>>
    tpu.wait_dma2 semaphore(%arg22 : memref<!tpu.dma_semaphore, #tpu.memory_space<semaphore_mem>>) src(%dma_wait3A_138 : memref<128xi32, #tpu.memory_space<hbm>>) dst(%arg8 : memref<128xi32, #tpu.memory_space<vmem>>)
    %dma_start3A_139 = arith.constant 0 : i32
    %dma_start3A_140 = arith.constant 0 : i32
    %dma_start3A_141 = tpu.memref_slice %arg3[%dma_start3A_139, %dma_start3A_140] : memref<10000x128xf32, #tpu.memory_space<hbm>> -> memref<10000x128xf32, #tpu.memory_space<hbm>>
    tpu.enqueue_indirect_dma source(%dma_start3A_141 : memref<10000x128xf32, #tpu.memory_space<hbm>>) target(%arg14 : memref<128x128xf32, #tpu.memory_space<vmem>>) offsets(%arg8 : memref<128xi32, #tpu.memory_space<vmem>>) semaphore(%arg28 : memref<!tpu.dma_semaphore, #tpu.memory_space<semaphore_mem>>)
    %dma_wait3A_142 = arith.constant 0 : i32
    %dma_wait3A_143 = arith.constant 0 : i32
    %dma_wait3A_144 = tpu.memref_slice %arg3[%dma_wait3A_142, %dma_wait3A_143] : memref<10000x128xf32, #tpu.memory_space<hbm>> -> memref<128x128xf32, #tpu.memory_space<hbm>>
    %dma_wait3A_145 = arith.constant 0 : i32
    %dma_wait3A_146 = arith.constant 0 : i32
    %dma_wait3A_147 = tpu.memref_slice %arg3[%dma_wait3A_145, %dma_wait3A_146] : memref<10000x128xf32, #tpu.memory_space<hbm>> -> memref<128x128xf32, #tpu.memory_space<hbm>>
    tpu.wait_dma2 semaphore(%arg27 : memref<!tpu.dma_semaphore, #tpu.memory_space<semaphore_mem>>) src(%dma_wait3A_147 : memref<128x128xf32, #tpu.memory_space<hbm>>) dst(%arg13 : memref<128x128xf32, #tpu.memory_space<vmem>>)
    %dma_wait3A_148 = arith.constant 0 : i32
    %dma_wait3A_149 = tpu.memref_slice %arg2[%dma_wait3A_148] : memref<640000xi32, #tpu.memory_space<hbm>> -> memref<128xi32, #tpu.memory_space<hbm>>
    %dma_wait3A_150 = arith.constant 0 : i32
    %dma_wait3A_151 = tpu.memref_slice %arg2[%dma_wait3A_150] : memref<640000xi32, #tpu.memory_space<hbm>> -> memref<128xi32, #tpu.memory_space<hbm>>
    tpu.wait_dma2 semaphore(%arg25 : memref<!tpu.dma_semaphore, #tpu.memory_space<semaphore_mem>>) src(%dma_wait3A_151 : memref<128xi32, #tpu.memory_space<hbm>>) dst(%arg11 : memref<128xi32, #tpu.memory_space<vmem>>)
    "tpu.region"() ({
      %run_scoped3A = tpu.sem_alloc : memref<!tpu.dma_semaphore, #tpu.memory_space<semaphore_mem>>
      %dma_start3A_212 = arith.constant 0 : i32
      %dma_start3A_213 = arith.constant 0 : i32
      %dma_start3A_214 = tpu.memref_slice %arg18[%dma_start3A_212, %dma_start3A_213] : memref<10000x128xf32, #tpu.memory_space<vmem_shared>> -> memref<10000x128xf32, #tpu.memory_space<vmem_shared>>
      tpu.enqueue_indirect_dma source(%arg13 : memref<128x128xf32, #tpu.memory_space<vmem>>) target(%dma_start3A_214 : memref<10000x128xf32, #tpu.memory_space<vmem_shared>>) offsets(%arg11 : memref<128xi32, #tpu.memory_space<vmem>>) semaphore(%run_scoped3A : memref<!tpu.dma_semaphore, #tpu.memory_space<semaphore_mem>>) {add = true}
      %dma_wait3A_215 = arith.constant 0 : i32
      %dma_wait3A_216 = arith.constant 0 : i32
      %dma_wait3A_217 = tpu.memref_slice %arg18[%dma_wait3A_215, %dma_wait3A_216] : memref<10000x128xf32, #tpu.memory_space<vmem_shared>> -> memref<10000x128xf32, #tpu.memory_space<vmem_shared>>
      tpu.wait_indirect_dma semaphore(%run_scoped3A : memref<!tpu.dma_semaphore, #tpu.memory_space<semaphore_mem>>) src(%arg13 : memref<128x128xf32, #tpu.memory_space<vmem>>) dst(%dma_wait3A_217 : memref<10000x128xf32, #tpu.memory_space<vmem_shared>>)
      tpu.yield
    }) : () -> ()
    %dma_wait3A_152 = arith.constant 0 : i32
    %dma_wait3A_153 = tpu.memref_slice %arg2[%dma_wait3A_152] : memref<640000xi32, #tpu.memory_space<hbm>> -> memref<128xi32, #tpu.memory_space<hbm>>
    %dma_wait3A_154 = arith.constant 0 : i32
    %dma_wait3A_155 = tpu.memref_slice %arg2[%dma_wait3A_154] : memref<640000xi32, #tpu.memory_space<hbm>> -> memref<128xi32, #tpu.memory_space<hbm>>
    tpu.wait_dma2 semaphore(%arg19 : memref<!tpu.dma_semaphore, #tpu.memory_space<semaphore_mem>>) src(%dma_wait3A_155 : memref<128xi32, #tpu.memory_space<hbm>>) dst(%arg5 : memref<128xi32, #tpu.memory_space<vmem>>)
    %dma_start3A_156 = arith.constant 0 : i32
    %dma_start3A_157 = arith.constant 0 : i32
    %dma_start3A_158 = tpu.memref_slice %arg3[%dma_start3A_156, %dma_start3A_157] : memref<10000x128xf32, #tpu.memory_space<hbm>> -> memref<10000x128xf32, #tpu.memory_space<hbm>>
    tpu.enqueue_indirect_dma source(%dma_start3A_158 : memref<10000x128xf32, #tpu.memory_space<hbm>>) target(%arg13 : memref<128x128xf32, #tpu.memory_space<vmem>>) offsets(%arg5 : memref<128xi32, #tpu.memory_space<vmem>>) semaphore(%arg27 : memref<!tpu.dma_semaphore, #tpu.memory_space<semaphore_mem>>)
    %dma_wait3A_159 = arith.constant 0 : i32
    %dma_wait3A_160 = arith.constant 0 : i32
    %dma_wait3A_161 = tpu.memref_slice %arg3[%dma_wait3A_159, %dma_wait3A_160] : memref<10000x128xf32, #tpu.memory_space<hbm>> -> memref<128x128xf32, #tpu.memory_space<hbm>>
    %dma_wait3A_162 = arith.constant 0 : i32
    %dma_wait3A_163 = arith.constant 0 : i32
    %dma_wait3A_164 = tpu.memref_slice %arg3[%dma_wait3A_162, %dma_wait3A_163] : memref<10000x128xf32, #tpu.memory_space<hbm>> -> memref<128x128xf32, #tpu.memory_space<hbm>>
    tpu.wait_dma2 semaphore(%arg28 : memref<!tpu.dma_semaphore, #tpu.memory_space<semaphore_mem>>) src(%dma_wait3A_164 : memref<128x128xf32, #tpu.memory_space<hbm>>) dst(%arg14 : memref<128x128xf32, #tpu.memory_space<vmem>>)
    %dma_wait3A_165 = arith.constant 0 : i32
    %dma_wait3A_166 = tpu.memref_slice %arg2[%dma_wait3A_165] : memref<640000xi32, #tpu.memory_space<hbm>> -> memref<128xi32, #tpu.memory_space<hbm>>
    %dma_wait3A_167 = arith.constant 0 : i32
    %dma_wait3A_168 = tpu.memref_slice %arg2[%dma_wait3A_167] : memref<640000xi32, #tpu.memory_space<hbm>> -> memref<128xi32, #tpu.memory_space<hbm>>
    tpu.wait_dma2 semaphore(%arg26 : memref<!tpu.dma_semaphore, #tpu.memory_space<semaphore_mem>>) src(%dma_wait3A_168 : memref<128xi32, #tpu.memory_space<hbm>>) dst(%arg12 : memref<128xi32, #tpu.memory_space<vmem>>)
    "tpu.region"() ({
      %run_scoped3A = tpu.sem_alloc : memref<!tpu.dma_semaphore, #tpu.memory_space<semaphore_mem>>
      %dma_start3A_212 = arith.constant 0 : i32
      %dma_start3A_213 = arith.constant 0 : i32
      %dma_start3A_214 = tpu.memref_slice %arg18[%dma_start3A_212, %dma_start3A_213] : memref<10000x128xf32, #tpu.memory_space<vmem_shared>> -> memref<10000x128xf32, #tpu.memory_space<vmem_shared>>
      tpu.enqueue_indirect_dma source(%arg14 : memref<128x128xf32, #tpu.memory_space<vmem>>) target(%dma_start3A_214 : memref<10000x128xf32, #tpu.memory_space<vmem_shared>>) offsets(%arg12 : memref<128xi32, #tpu.memory_space<vmem>>) semaphore(%run_scoped3A : memref<!tpu.dma_semaphore, #tpu.memory_space<semaphore_mem>>) {add = true}
      %dma_wait3A_215 = arith.constant 0 : i32
      %dma_wait3A_216 = arith.constant 0 : i32
      %dma_wait3A_217 = tpu.memref_slice %arg18[%dma_wait3A_215, %dma_wait3A_216] : memref<10000x128xf32, #tpu.memory_space<vmem_shared>> -> memref<10000x128xf32, #tpu.memory_space<vmem_shared>>
      tpu.wait_indirect_dma semaphore(%run_scoped3A : memref<!tpu.dma_semaphore, #tpu.memory_space<semaphore_mem>>) src(%arg14 : memref<128x128xf32, #tpu.memory_space<vmem>>) dst(%dma_wait3A_217 : memref<10000x128xf32, #tpu.memory_space<vmem_shared>>)
      tpu.yield
    }) : () -> ()
    %dma_wait3A_169 = arith.constant 0 : i32
    %dma_wait3A_170 = tpu.memref_slice %arg2[%dma_wait3A_169] : memref<640000xi32, #tpu.memory_space<hbm>> -> memref<128xi32, #tpu.memory_space<hbm>>
    %dma_wait3A_171 = arith.constant 0 : i32
    %dma_wait3A_172 = tpu.memref_slice %arg2[%dma_wait3A_171] : memref<640000xi32, #tpu.memory_space<hbm>> -> memref<128xi32, #tpu.memory_space<hbm>>
    tpu.wait_dma2 semaphore(%arg20 : memref<!tpu.dma_semaphore, #tpu.memory_space<semaphore_mem>>) src(%dma_wait3A_172 : memref<128xi32, #tpu.memory_space<hbm>>) dst(%arg6 : memref<128xi32, #tpu.memory_space<vmem>>)
    %dma_start3A_173 = arith.constant 0 : i32
    %dma_start3A_174 = arith.constant 0 : i32
    %dma_start3A_175 = tpu.memref_slice %arg3[%dma_start3A_173, %dma_start3A_174] : memref<10000x128xf32, #tpu.memory_space<hbm>> -> memref<10000x128xf32, #tpu.memory_space<hbm>>
    tpu.enqueue_indirect_dma source(%dma_start3A_175 : memref<10000x128xf32, #tpu.memory_space<hbm>>) target(%arg14 : memref<128x128xf32, #tpu.memory_space<vmem>>) offsets(%arg6 : memref<128xi32, #tpu.memory_space<vmem>>) semaphore(%arg28 : memref<!tpu.dma_semaphore, #tpu.memory_space<semaphore_mem>>)
    %dma_wait3A_176 = arith.constant 0 : i32
    %dma_wait3A_177 = arith.constant 0 : i32
    %dma_wait3A_178 = tpu.memref_slice %arg3[%dma_wait3A_176, %dma_wait3A_177] : memref<10000x128xf32, #tpu.memory_space<hbm>> -> memref<128x128xf32, #tpu.memory_space<hbm>>
    %dma_wait3A_179 = arith.constant 0 : i32
    %dma_wait3A_180 = arith.constant 0 : i32
    %dma_wait3A_181 = tpu.memref_slice %arg3[%dma_wait3A_179, %dma_wait3A_180] : memref<10000x128xf32, #tpu.memory_space<hbm>> -> memref<128x128xf32, #tpu.memory_space<hbm>>
    tpu.wait_dma2 semaphore(%arg27 : memref<!tpu.dma_semaphore, #tpu.memory_space<semaphore_mem>>) src(%dma_wait3A_181 : memref<128x128xf32, #tpu.memory_space<hbm>>) dst(%arg13 : memref<128x128xf32, #tpu.memory_space<vmem>>)
    %dma_wait3A_182 = arith.constant 0 : i32
    %dma_wait3A_183 = tpu.memref_slice %arg2[%dma_wait3A_182] : memref<640000xi32, #tpu.memory_space<hbm>> -> memref<128xi32, #tpu.memory_space<hbm>>
    %dma_wait3A_184 = arith.constant 0 : i32
    %dma_wait3A_185 = tpu.memref_slice %arg2[%dma_wait3A_184] : memref<640000xi32, #tpu.memory_space<hbm>> -> memref<128xi32, #tpu.memory_space<hbm>>
    tpu.wait_dma2 semaphore(%arg23 : memref<!tpu.dma_semaphore, #tpu.memory_space<semaphore_mem>>) src(%dma_wait3A_185 : memref<128xi32, #tpu.memory_space<hbm>>) dst(%arg9 : memref<128xi32, #tpu.memory_space<vmem>>)
    "tpu.region"() ({
      %run_scoped3A = tpu.sem_alloc : memref<!tpu.dma_semaphore, #tpu.memory_space<semaphore_mem>>
      %dma_start3A_212 = arith.constant 0 : i32
      %dma_start3A_213 = arith.constant 0 : i32
      %dma_start3A_214 = tpu.memref_slice %arg18[%dma_start3A_212, %dma_start3A_213] : memref<10000x128xf32, #tpu.memory_space<vmem_shared>> -> memref<10000x128xf32, #tpu.memory_space<vmem_shared>>
      tpu.enqueue_indirect_dma source(%arg13 : memref<128x128xf32, #tpu.memory_space<vmem>>) target(%dma_start3A_214 : memref<10000x128xf32, #tpu.memory_space<vmem_shared>>) offsets(%arg9 : memref<128xi32, #tpu.memory_space<vmem>>) semaphore(%run_scoped3A : memref<!tpu.dma_semaphore, #tpu.memory_space<semaphore_mem>>) {add = true}
      %dma_wait3A_215 = arith.constant 0 : i32
      %dma_wait3A_216 = arith.constant 0 : i32
      %dma_wait3A_217 = tpu.memref_slice %arg18[%dma_wait3A_215, %dma_wait3A_216] : memref<10000x128xf32, #tpu.memory_space<vmem_shared>> -> memref<10000x128xf32, #tpu.memory_space<vmem_shared>>
      tpu.wait_indirect_dma semaphore(%run_scoped3A : memref<!tpu.dma_semaphore, #tpu.memory_space<semaphore_mem>>) src(%arg13 : memref<128x128xf32, #tpu.memory_space<vmem>>) dst(%dma_wait3A_217 : memref<10000x128xf32, #tpu.memory_space<vmem_shared>>)
      tpu.yield
    }) : () -> ()
    %dma_wait3A_186 = arith.constant 0 : i32
    %dma_wait3A_187 = arith.constant 0 : i32
    %dma_wait3A_188 = tpu.memref_slice %arg3[%dma_wait3A_186, %dma_wait3A_187] : memref<10000x128xf32, #tpu.memory_space<hbm>> -> memref<128x128xf32, #tpu.memory_space<hbm>>
    %dma_wait3A_189 = arith.constant 0 : i32
    %dma_wait3A_190 = arith.constant 0 : i32
    %dma_wait3A_191 = tpu.memref_slice %arg3[%dma_wait3A_189, %dma_wait3A_190] : memref<10000x128xf32, #tpu.memory_space<hbm>> -> memref<128x128xf32, #tpu.memory_space<hbm>>
    tpu.wait_dma2 semaphore(%arg28 : memref<!tpu.dma_semaphore, #tpu.memory_space<semaphore_mem>>) src(%dma_wait3A_191 : memref<128x128xf32, #tpu.memory_space<hbm>>) dst(%arg14 : memref<128x128xf32, #tpu.memory_space<vmem>>)
    %dma_wait3A_192 = arith.constant 0 : i32
    %dma_wait3A_193 = tpu.memref_slice %arg2[%dma_wait3A_192] : memref<640000xi32, #tpu.memory_space<hbm>> -> memref<128xi32, #tpu.memory_space<hbm>>
    %dma_wait3A_194 = arith.constant 0 : i32
    %dma_wait3A_195 = tpu.memref_slice %arg2[%dma_wait3A_194] : memref<640000xi32, #tpu.memory_space<hbm>> -> memref<128xi32, #tpu.memory_space<hbm>>
    tpu.wait_dma2 semaphore(%arg24 : memref<!tpu.dma_semaphore, #tpu.memory_space<semaphore_mem>>) src(%dma_wait3A_195 : memref<128xi32, #tpu.memory_space<hbm>>) dst(%arg10 : memref<128xi32, #tpu.memory_space<vmem>>)
    "tpu.region"() ({
      %run_scoped3A = tpu.sem_alloc : memref<!tpu.dma_semaphore, #tpu.memory_space<semaphore_mem>>
      %dma_start3A_212 = arith.constant 0 : i32
      %dma_start3A_213 = arith.constant 0 : i32
      %dma_start3A_214 = tpu.memref_slice %arg18[%dma_start3A_212, %dma_start3A_213] : memref<10000x128xf32, #tpu.memory_space<vmem_shared>> -> memref<10000x128xf32, #tpu.memory_space<vmem_shared>>
      tpu.enqueue_indirect_dma source(%arg14 : memref<128x128xf32, #tpu.memory_space<vmem>>) target(%dma_start3A_214 : memref<10000x128xf32, #tpu.memory_space<vmem_shared>>) offsets(%arg10 : memref<128xi32, #tpu.memory_space<vmem>>) semaphore(%run_scoped3A : memref<!tpu.dma_semaphore, #tpu.memory_space<semaphore_mem>>) {add = true}
      %dma_wait3A_215 = arith.constant 0 : i32
      %dma_wait3A_216 = arith.constant 0 : i32
      %dma_wait3A_217 = tpu.memref_slice %arg18[%dma_wait3A_215, %dma_wait3A_216] : memref<10000x128xf32, #tpu.memory_space<vmem_shared>> -> memref<10000x128xf32, #tpu.memory_space<vmem_shared>>
      tpu.wait_indirect_dma semaphore(%run_scoped3A : memref<!tpu.dma_semaphore, #tpu.memory_space<semaphore_mem>>) src(%arg14 : memref<128x128xf32, #tpu.memory_space<vmem>>) dst(%dma_wait3A_217 : memref<10000x128xf32, #tpu.memory_space<vmem_shared>>)
      tpu.yield
    }) : () -> ()
    %dma_wait3A_196 = arith.constant 0 : i32
    %dma_wait3A_197 = arith.constant 0 : i32
    %dma_wait3A_198 = tpu.memref_slice %arg3[%dma_wait3A_196, %dma_wait3A_197] : memref<10000x128xf32, #tpu.memory_space<hbm>> -> memref<16x128xf32, #tpu.memory_space<hbm>>
    %dma_wait3A_199 = arith.constant 0 : i32
    %dma_wait3A_200 = arith.constant 0 : i32
    %dma_wait3A_201 = tpu.memref_slice %arg3[%dma_wait3A_199, %dma_wait3A_200] : memref<10000x128xf32, #tpu.memory_space<hbm>> -> memref<16x128xf32, #tpu.memory_space<hbm>>
    tpu.wait_dma2 semaphore(%arg31 : memref<!tpu.dma_semaphore, #tpu.memory_space<semaphore_mem>>) src(%dma_wait3A_201 : memref<16x128xf32, #tpu.memory_space<hbm>>) dst(%arg17 : memref<16x128xf32, #tpu.memory_space<vmem>>)
    %dma_wait3A_202 = arith.constant 0 : i32
    %dma_wait3A_203 = tpu.memref_slice %arg2[%dma_wait3A_202] : memref<640000xi32, #tpu.memory_space<hbm>> -> memref<16xi32, #tpu.memory_space<hbm>>
    %dma_wait3A_204 = arith.constant 0 : i32
    %dma_wait3A_205 = tpu.memref_slice %arg2[%dma_wait3A_204] : memref<640000xi32, #tpu.memory_space<hbm>> -> memref<16xi32, #tpu.memory_space<hbm>>
    tpu.wait_dma2 semaphore(%arg30 : memref<!tpu.dma_semaphore, #tpu.memory_space<semaphore_mem>>) src(%dma_wait3A_205 : memref<16xi32, #tpu.memory_space<hbm>>) dst(%arg16 : memref<16xi32, #tpu.memory_space<vmem>>)
    "tpu.region"() ({
      %run_scoped3A = tpu.sem_alloc : memref<!tpu.dma_semaphore, #tpu.memory_space<semaphore_mem>>
      %dma_start3A_212 = arith.constant 0 : i32
      %dma_start3A_213 = arith.constant 0 : i32
      %dma_start3A_214 = tpu.memref_slice %arg18[%dma_start3A_212, %dma_start3A_213] : memref<10000x128xf32, #tpu.memory_space<vmem_shared>> -> memref<10000x128xf32, #tpu.memory_space<vmem_shared>>
      tpu.enqueue_indirect_dma source(%arg17 : memref<16x128xf32, #tpu.memory_space<vmem>>) target(%dma_start3A_214 : memref<10000x128xf32, #tpu.memory_space<vmem_shared>>) offsets(%arg16 : memref<16xi32, #tpu.memory_space<vmem>>) semaphore(%run_scoped3A : memref<!tpu.dma_semaphore, #tpu.memory_space<semaphore_mem>>) {add = true}
      %dma_wait3A_215 = arith.constant 0 : i32
      %dma_wait3A_216 = arith.constant 0 : i32
      %dma_wait3A_217 = tpu.memref_slice %arg18[%dma_wait3A_215, %dma_wait3A_216] : memref<10000x128xf32, #tpu.memory_space<vmem_shared>> -> memref<10000x128xf32, #tpu.memory_space<vmem_shared>>
      tpu.wait_indirect_dma semaphore(%run_scoped3A : memref<!tpu.dma_semaphore, #tpu.memory_space<semaphore_mem>>) src(%arg17 : memref<16x128xf32, #tpu.memory_space<vmem>>) dst(%dma_wait3A_217 : memref<10000x128xf32, #tpu.memory_space<vmem_shared>>)
      tpu.yield
    }) : () -> ()
    %barrier3A_206 = arith.constant 0 : index
    tpu.barrier barrier_id(%barrier3A_206)
    "tpu.region"() ({
      %run_scoped3A = tpu.sem_alloc : memref<!tpu.dma_semaphore, #tpu.memory_space<semaphore_mem>>
      %dma_start3A_212 = arith.constant 0 : i32
      %dma_start3A_213 = tpu.memref_slice %arg4[%arg0, %mul3A_66, %dma_start3A_212] : memref<2x10000x128xf32, #tpu.memory_space<hbm>> -> memref<1x624x128xf32, #tpu.memory_space<hbm>>
      %dma_start3A_214 = tpu.memref_squeeze %dma_start3A_213 : memref<1x624x128xf32, #tpu.memory_space<hbm>> -> memref<624x128xf32, #tpu.memory_space<hbm>>
      %dma_start3A_215 = arith.constant 0 : i32
      %dma_start3A_216 = tpu.memref_slice %arg18[%mul3A_66, %dma_start3A_215] : memref<10000x128xf32, #tpu.memory_space<vmem_shared>> -> memref<624x128xf32, #tpu.memory_space<vmem_shared>>
      tpu.enqueue_dma source(%dma_start3A_216 : memref<624x128xf32, #tpu.memory_space<vmem_shared>>) target(%dma_start3A_214 : memref<624x128xf32, #tpu.memory_space<hbm>>) target_semaphore(%run_scoped3A : memref<!tpu.dma_semaphore, #tpu.memory_space<semaphore_mem>>)
      %dma_wait3A_217 = arith.constant 0 : i32
      %dma_wait3A_218 = tpu.memref_slice %arg4[%arg0, %mul3A_66, %dma_wait3A_217] : memref<2x10000x128xf32, #tpu.memory_space<hbm>> -> memref<1x624x128xf32, #tpu.memory_space<hbm>>
      %dma_wait3A_219 = tpu.memref_squeeze %dma_wait3A_218 : memref<1x624x128xf32, #tpu.memory_space<hbm>> -> memref<624x128xf32, #tpu.memory_space<hbm>>
      %dma_wait3A_220 = arith.constant 0 : i32
      %dma_wait3A_221 = tpu.memref_slice %arg18[%mul3A_66, %dma_wait3A_220] : memref<10000x128xf32, #tpu.memory_space<vmem_shared>> -> memref<624x128xf32, #tpu.memory_space<vmem_shared>>
      tpu.wait_dma2 semaphore(%run_scoped3A : memref<!tpu.dma_semaphore, #tpu.memory_space<semaphore_mem>>) src(%dma_wait3A_221 : memref<624x128xf32, #tpu.memory_space<vmem_shared>>) dst(%dma_wait3A_219 : memref<624x128xf32, #tpu.memory_space<hbm>>)
      tpu.yield
    }) : () -> ()
    %eq3A_207 = arith.constant 15 : i32
    %eq3A_208 = arith.cmpi eq, %arg1, %eq3A_207 : i32
    %convert_element_type3A_209 = arith.extui %eq3A_208 : i1 to i32
    %cond3A_210 = arith.constant 0 : i32
    %cond3A_211 = arith.cmpi ne, %convert_element_type3A_209, %cond3A_210 : i32
    scf.if %cond3A_211 {
      "tpu.region"() ({
        %run_scoped3A = tpu.sem_alloc : memref<!tpu.dma_semaphore, #tpu.memory_space<semaphore_mem>>
        %dma_start3A_212 = arith.constant 9984 : i32
        %dma_start3A_213 = arith.constant 0 : i32
        %dma_start3A_214 = tpu.memref_slice %arg4[%arg0, %dma_start3A_212, %dma_start3A_213] : memref<2x10000x128xf32, #tpu.memory_space<hbm>> -> memref<1x16x128xf32, #tpu.memory_space<hbm>>
        %dma_start3A_215 = tpu.memref_squeeze %dma_start3A_214 : memref<1x16x128xf32, #tpu.memory_space<hbm>> -> memref<16x128xf32, #tpu.memory_space<hbm>>
        %dma_start3A_216 = arith.constant 9984 : i32
        %dma_start3A_217 = arith.constant 0 : i32
        %dma_start3A_218 = tpu.memref_slice %arg18[%dma_start3A_216, %dma_start3A_217] : memref<10000x128xf32, #tpu.memory_space<vmem_shared>> -> memref<16x128xf32, #tpu.memory_space<vmem_shared>>
        tpu.enqueue_dma source(%dma_start3A_218 : memref<16x128xf32, #tpu.memory_space<vmem_shared>>) target(%dma_start3A_215 : memref<16x128xf32, #tpu.memory_space<hbm>>) target_semaphore(%run_scoped3A : memref<!tpu.dma_semaphore, #tpu.memory_space<semaphore_mem>>)
        %dma_wait3A_219 = arith.constant 9984 : i32
        %dma_wait3A_220 = arith.constant 0 : i32
        %dma_wait3A_221 = tpu.memref_slice %arg4[%arg0, %dma_wait3A_219, %dma_wait3A_220] : memref<2x10000x128xf32, #tpu.memory_space<hbm>> -> memref<1x16x128xf32, #tpu.memory_space<hbm>>
        %dma_wait3A_222 = tpu.memref_squeeze %dma_wait3A_221 : memref<1x16x128xf32, #tpu.memory_space<hbm>> -> memref<16x128xf32, #tpu.memory_space<hbm>>
        %dma_wait3A_223 = arith.constant 9984 : i32
        %dma_wait3A_224 = arith.constant 0 : i32
        %dma_wait3A_225 = tpu.memref_slice %arg18[%dma_wait3A_223, %dma_wait3A_224] : memref<10000x128xf32, #tpu.memory_space<vmem_shared>> -> memref<16x128xf32, #tpu.memory_space<vmem_shared>>
        tpu.wait_dma2 semaphore(%run_scoped3A : memref<!tpu.dma_semaphore, #tpu.memory_space<semaphore_mem>>) src(%dma_wait3A_225 : memref<16x128xf32, #tpu.memory_space<vmem_shared>>) dst(%dma_wait3A_222 : memref<16x128xf32, #tpu.memory_space<hbm>>)
        tpu.yield
      }) : () -> ()
    } else {
    }
    return
  }
}

module attributes {stable_mosaic.version = 14 : i64} {
  func.func @_tc_finish(%arg0: memref<2x10000x128xf32, #tpu.memory_space<vmem>>, %arg1: memref<10000x128xf32, #tpu.memory_space<vmem>>, %arg2: memref<128x128xf32, #tpu.memory_space<vmem>>, %arg3: memref<1x128xf32, #tpu.memory_space<vmem>>, %arg4: memref<128x128xf32, #tpu.memory_space<vmem>>, %arg5: memref<1x128xf32, #tpu.memory_space<vmem>>, %arg6: memref<1x128xf32, #tpu.memory_space<vmem>>, %arg7: memref<10000x128xf32, #tpu.memory_space<vmem>>) attributes {dimension_semantics = [], scalar_prefetch = 0 : i64, scratch_operands = 0 : i64, tpu.core_type = #tpu.core_type<tc>} {
    %get3A = arith.constant 0 : index
    %get3A_0 = arith.constant 0 : index
    %get3A_1 = arith.constant 0 : index
    %get3A_2 = vector.load %arg0[%get3A, %get3A_0, %get3A_1] : memref<2x10000x128xf32, #tpu.memory_space<vmem>>, vector<1x10000x128xf32>
    %get3A_3 = vector.shape_cast %get3A_2 : vector<1x10000x128xf32> to vector<10000x128xf32>
    %get3A_4 = arith.constant 1 : index
    %get3A_5 = arith.constant 0 : index
    %get3A_6 = arith.constant 0 : index
    %get3A_7 = vector.load %arg0[%get3A_4, %get3A_5, %get3A_6] : memref<2x10000x128xf32, #tpu.memory_space<vmem>>, vector<1x10000x128xf32>
    %get3A_8 = vector.shape_cast %get3A_7 : vector<1x10000x128xf32> to vector<10000x128xf32>
    %add3A = arith.addf %get3A_3, %get3A_8 : vector<10000x128xf32>
    %get3A_9 = arith.constant 0 : index
    %get3A_10 = arith.constant 0 : index
    %get3A_11 = vector.load %arg2[%get3A_9, %get3A_10] : memref<128x128xf32, #tpu.memory_space<vmem>>, vector<128x128xf32>
    %dot_general3A = arith.constant dense<0.000000e+00> : vector<10000x128xf32>
    %dot_general3A_12 = tpu.matmul %add3A, %get3A_11, %dot_general3A {dimension_numbers = #tpu.dot_dimension_numbers<[1], [0], [0], [1], [0, 0, 1, 1], [], []>, transpose_lhs_hint = false} : vector<10000x128xf32>, vector<128x128xf32>, vector<10000x128xf32> -> vector<10000x128xf32>
    %get3A_13 = arith.constant 0 : index
    %get3A_14 = arith.constant 0 : index
    %get3A_15 = vector.load %arg1[%get3A_13, %get3A_14] : memref<10000x128xf32, #tpu.memory_space<vmem>>, vector<10000x128xf32>
    %get3A_16 = arith.constant 0 : index
    %get3A_17 = arith.constant 0 : index
    %get3A_18 = vector.load %arg4[%get3A_16, %get3A_17] : memref<128x128xf32, #tpu.memory_space<vmem>>, vector<128x128xf32>
    %dot_general3A_19 = arith.constant dense<0.000000e+00> : vector<10000x128xf32>
    %dot_general3A_20 = tpu.matmul %get3A_15, %get3A_18, %dot_general3A_19 {dimension_numbers = #tpu.dot_dimension_numbers<[1], [0], [0], [1], [0, 0, 1, 1], [], []>, transpose_lhs_hint = false} : vector<10000x128xf32>, vector<128x128xf32>, vector<10000x128xf32> -> vector<10000x128xf32>
    %add3A_21 = arith.addf %dot_general3A_12, %dot_general3A_20 : vector<10000x128xf32>
    %get3A_22 = arith.constant 0 : index
    %get3A_23 = arith.constant 0 : index
    %get3A_24 = vector.load %arg3[%get3A_22, %get3A_23] : memref<1x128xf32, #tpu.memory_space<vmem>>, vector<1x128xf32>
    %add3A_25 = vector.broadcast %get3A_24 : vector<1x128xf32> to vector<10000x128xf32>
    %add3A_26 = arith.addf %add3A_21, %add3A_25 : vector<10000x128xf32>
    %reduce_sum3A = arith.constant dense<0.000000e+00> : vector<128xf32>
    %reduce_sum3A_27 = vector.multi_reduction <add>, %add3A_26, %reduce_sum3A [0] : vector<10000x128xf32> to vector<128xf32>
    %broadcast_in_dim3A = vector.shape_cast %reduce_sum3A_27 : vector<128xf32> to vector<1x128xf32>
    %div3A = arith.constant 1.000000e+04 : f32
    %div3A_28 = vector.broadcast %div3A : f32 to vector<1x128xf32>
    %div3A_29 = arith.divf %broadcast_in_dim3A, %div3A_28 : vector<1x128xf32>
    %sub3A = vector.broadcast %div3A_29 : vector<1x128xf32> to vector<10000x128xf32>
    %sub3A_30 = arith.subf %add3A_26, %sub3A : vector<10000x128xf32>
    %mul3A = arith.mulf %sub3A_30, %sub3A_30 : vector<10000x128xf32>
    %reduce_sum3A_31 = arith.constant dense<0.000000e+00> : vector<128xf32>
    %reduce_sum3A_32 = vector.multi_reduction <add>, %mul3A, %reduce_sum3A_31 [0] : vector<10000x128xf32> to vector<128xf32>
    %broadcast_in_dim3A_33 = vector.shape_cast %reduce_sum3A_32 : vector<128xf32> to vector<1x128xf32>
    %div3A_34 = arith.constant 1.000000e+04 : f32
    %div3A_35 = vector.broadcast %div3A_34 : f32 to vector<1x128xf32>
    %div3A_36 = arith.divf %broadcast_in_dim3A_33, %div3A_35 : vector<1x128xf32>
    %add3A_37 = arith.constant 9.99999974E-6 : f32
    %add3A_38 = vector.broadcast %add3A_37 : f32 to vector<1x128xf32>
    %add3A_39 = arith.addf %div3A_36, %add3A_38 : vector<1x128xf32>
    %rsqrt3A = math.rsqrt %add3A_39 : vector<1x128xf32>
    %mul3A_40 = vector.broadcast %rsqrt3A : vector<1x128xf32> to vector<10000x128xf32>
    %mul3A_41 = arith.mulf %sub3A_30, %mul3A_40 : vector<10000x128xf32>
    %get3A_42 = arith.constant 0 : index
    %get3A_43 = arith.constant 0 : index
    %get3A_44 = vector.load %arg5[%get3A_42, %get3A_43] : memref<1x128xf32, #tpu.memory_space<vmem>>, vector<1x128xf32>
    %mul3A_45 = vector.broadcast %get3A_44 : vector<1x128xf32> to vector<10000x128xf32>
    %mul3A_46 = arith.mulf %mul3A_41, %mul3A_45 : vector<10000x128xf32>
    %get3A_47 = arith.constant 0 : index
    %get3A_48 = arith.constant 0 : index
    %get3A_49 = vector.load %arg6[%get3A_47, %get3A_48] : memref<1x128xf32, #tpu.memory_space<vmem>>, vector<1x128xf32>
    %add3A_50 = vector.broadcast %get3A_49 : vector<1x128xf32> to vector<10000x128xf32>
    %add3A_51 = arith.addf %mul3A_46, %add3A_50 : vector<10000x128xf32>
    %max3A = arith.constant 0.000000e+00 : f32
    %max3A_52 = vector.broadcast %max3A : f32 to vector<10000x128xf32>
    %max3A_53 = arith.maximumf %add3A_51, %max3A_52 : vector<10000x128xf32>
    %swap3A = arith.constant 0 : index
    %swap3A_54 = arith.constant 0 : index
    %swap3A_55 = vector.load %arg7[%swap3A, %swap3A_54] : memref<10000x128xf32, #tpu.memory_space<vmem>>, vector<10000x128xf32>
    tpu.vector_store %arg7[%swap3A, %swap3A_54], %max3A_53 {strides = array<i32>} : memref<10000x128xf32, #tpu.memory_space<vmem>>, vector<10000x128xf32>,
    return
  }
}

</mosaic_0001>

<sc_bundles>
// kernel: kernel.4.cloned.1.call-start
scs
__scs_entry_jumppad:
0x0: {  	(pc) =	sbr.rel $0x88, $3  }
0x1: {  	(tag) =	ssettag $0x0;
	lr =	simm.s32 $0x1  }
0x2: {  	[smem:$0x3F9A] =	sst lr;
	_ =	strace $0xD0000000  }
0x3: {  	_ = 	snop  }
0x4: {  	_ = 	snop  }
0x5: {  	_ = 	snop  }
0x6: {  	_ = 	snop  }
0x7: {  	_ = 	snop  }
__scs_overlays_trampoline_lowered:
0x8: {  	[smem:$0x3FA9] =	sst s0  }
0x9: {  	[smem:$0x3FAA] =	sst s1  }
0xa: {  	[smem:$0x3FAB] =	sst s2  }
0xb: {  	[smem:$0x3FAC] =	sst s3  }
0xc: {  	[smem:$0x3FAD] =	sst s4  }
0xd: {  	[smem:$0x3FAE] =	sst s5  }
0xe: {  	[smem:$0x3FAF] =	sst s6  }
0xf: {  	[smem:$0x3FB0] =	sst s7  }
0x10: {  	[smem:$0x3FB1] =	sst s8  }
0x11: {  	[smem:$0x3FB2] =	sst s9;
	s0 =	simm.s32 @!p0 $0x0  }
0x12: {  	s1 =	sld [smem:$0x3F98];
	s0 =	simm.s32 @p0 $0x1  }
0x13: {  	[smem:$0x3FB3] =	sst s0;
	s0 =	simm.s32 @!p1 $0x0  }
0x14: {  	s2 =	sld [smem:$0x3F97];
	s0 =	simm.s32 @p1 $0x1  }
0x15: {  	[smem:$0x3FB4] =	sst s0;
	s0 =	simm.s32 @!p2 $0x0  }
0x16: {  	s3 =	sld [smem:$0x3FDB];
	s0 =	simm.s32 @p2 $0x1  }
0x17: {  	s4 =	simm.s32 $0x1BF5;
	[smem:$0x3FB6] =	sst s0  }
0x18: {  	s0 =	sld [smem:$0x3F99];
	_ =	swait.ge [sflag:s4], $0x0  }
0x19: {  	s7 =	sld [smem:$0x3F9A]  }
0x1a: {  	s8 =	sadd.s32 $0xFFFFE003, lr  }
0x1b: {  	s9 =	sadd.s32 $0xFFFFFEF7, lr;
	s5 =	simm.s32 $0xFFFFFFFF;
	p2 =	slt.u32 s8, $0xFFFFF086  }
0x1c: {  	p1 =	slt.u32 s9, $0xF7A;
	s5 =	simm.s32 @!p2 $0x0  }
0x1d: {  	s5 =	simm.s32 @p1 $0x1;
	p0 =	seq.s32 s7, s2  }
0x1e: {  	s7 =	smul.u32 @!p0 $0xF7A, s2;
	p2 =	seq.s32 @!p0 s5, $0x0  }
0x1f: {  	s9 =	smul.u32 $0xF7A, s1;
	s8 =	simm.s32 @!p0 $0x1BF5;
	p2 =	por !p2, p0  }
0x20: {  	[sflag:s8] =	ssyncset.s32 @!p0 $0xFFFFF086;
	s6 =	sadd.s32 @!p0 s3, s7;
	s7 =	simm.s32 @!p0 $0x108  }
0x21: {  	s3 =	sadd.s32 s3, s9;
	s6 =	sadd.s32 @!p0 $0x88, s6;
	s7 =	simm.s32 @p2 $0x1082  }
0x22: {  	[simem:s7], [sflag:s8] =	dma.local @!p0 [hbm:s6], $0xF7A  }
0x23: {  	s9 =	sor.u32 $0xD0000000, s2;
	s6 =	simm.s32 $0x108;
	_ =	swait.ge @!p0 [sflag:s8], $0x0  }
0x24: {  	s3 =	sadd.s32 $0x88, s3;
	s6 =	simm.s32 @!p1 $0x1082;
	[sflag:s4] =	ssyncset.s32 $0xFFFFF086  }
0x25: {  	[simem:s6], [sflag:s4] =	dma.local [hbm:s3], $0xF7A  }
0x26: {  	[smem:$0x3F9A] =	sst s1;
	(tag) =	ssettag s2;
	_ =	strace s9  }
0x27: {  	s1 =	sld [smem:$0x3FAA]  }
0x28: {  	s2 =	sld [smem:$0x3FAB]  }
0x29: {  	s4 =	sld [smem:$0x3FAD]  }
0x2a: {  	p0 =	seq.s32 s5, $0x0;
	s5 =	sld [smem:$0x3FAE]  }
0x2b: {  	s6 =	sld [smem:$0x3FAF]  }
0x2c: {  	s7 =	sld [smem:$0x3FB0]  }
0x2d: {  	s3 =	simm.s32 $0x108;
	s8 =	sld [smem:$0x3FB1]  }
0x2e: {  	s3 =	simm.s32 @!p0 $0x1082;
	s9 =	sld [smem:$0x3FB2]  }
0x2f: {  	lr =	sadd.s32 s0, s3;
	s0 =	sld [smem:$0x3FA9]  }
0x30: {  	s3 =	sld [smem:$0x3FAC]  }
0x31: {  	[smem:$0x3FB5] =	sst s10  }
0x32: {  	s10 =	sld [smem:$0x3FB3];
	_ =	sdelay $0x3  }
0x33: {  	p0 =	seq.s32 s10, $0x1;
	s10 =	sld [smem:$0x3FB5];
	_ =	sdelay $0x3  }
0x34: {  	[smem:$0x3FB5] =	sst s10  }
0x35: {  	s10 =	sld [smem:$0x3FB4];
	_ =	sdelay $0x3  }
0x36: {  	p1 =	seq.s32 s10, $0x1;
	s10 =	sld [smem:$0x3FB5];
	_ =	sdelay $0x3  }
0x37: {  	[smem:$0x3FB5] =	sst s10  }
0x38: {  	s10 =	sld [smem:$0x3FB6]  }
0x39: {  	_ = 	snop;
	(pc) =	sbr.ind lr, $3  }
0x3a: {  	_ = 	snop  }
0x3b: {  	_ = 	snop  }
0x3c: {  	p2 =	seq.s32 s10, $0x1;
	s10 =	sld [smem:$0x3FB5]  }
0x3d: {  	_ =	shalt  }
0x3e: {  	_ =	shalt  }
0x3f: {  	_ =	shalt  }
0x40: {  	_ =	shalt  }
0x41: {  	_ =	shalt  }
0x42: {  	_ =	shalt  }
0x43: {  	_ =	shalt  }
0x44: {  	_ =	shalt  }
0x45: {  	_ =	shalt  }
0x46: {  	_ =	shalt  }
0x47: {  	_ =	shalt  }
0x48: {  	_ =	shalt  }
0x49: {  	_ =	shalt  }
0x4a: {  	_ =	shalt  }
0x4b: {  	_ =	shalt  }
0x4c: {  	_ =	shalt  }
0x4d: {  	_ =	shalt  }
0x4e: {  	_ =	shalt  }
0x4f: {  	_ =	shalt  }
0x50: {  	_ =	shalt  }
0x51: {  	_ =	shalt  }
0x52: {  	_ =	shalt  }
0x53: {  	_ =	shalt  }
0x54: {  	_ =	shalt  }
0x55: {  	_ =	shalt  }
0x56: {  	_ =	shalt  }
0x57: {  	_ =	shalt  }
0x58: {  	_ =	shalt  }
0x59: {  	_ =	shalt  }
0x5a: {  	_ =	shalt  }
0x5b: {  	_ =	shalt  }
0x5c: {  	_ =	shalt  }
0x5d: {  	_ =	shalt  }
0x5e: {  	_ =	shalt  }
0x5f: {  	_ =	shalt  }
0x60: {  	_ =	shalt  }
0x61: {  	_ =	shalt  }
0x62: {  	_ =	shalt  }
0x63: {  	_ =	shalt  }
0x64: {  	_ =	shalt  }
0x65: {  	_ =	shalt  }
0x66: {  	_ =	shalt  }
0x67: {  	_ =	shalt  }
0x68: {  	_ =	shalt  }
0x69: {  	_ =	shalt  }
0x6a: {  	_ =	shalt  }
0x6b: {  	_ =	shalt  }
0x6c: {  	_ =	shalt  }
0x6d: {  	_ =	shalt  }
0x6e: {  	_ =	shalt  }
0x6f: {  	_ =	shalt  }
0x70: {  	_ =	shalt  }
0x71: {  	_ =	shalt  }
0x72: {  	_ =	shalt  }
0x73: {  	_ =	shalt  }
0x74: {  	_ =	shalt  }
0x75: {  	_ =	shalt  }
0x76: {  	_ =	shalt  }
0x77: {  	_ =	shalt  }
0x78: {  	_ =	shalt  }
0x79: {  	_ =	shalt  }
0x7a: {  	_ =	shalt  }
0x7b: {  	_ =	shalt  }
0x7c: {  	_ =	shalt  }
0x7d: {  	_ =	shalt  }
0x7e: {  	_ =	shalt  }
0x7f: {  	_ =	shalt  }
0x80: {  	_ =	shalt  }
0x81: {  	_ =	shalt  }
0x82: {  	_ =	shalt  }
0x83: {  	_ =	shalt  }
0x84: {  	_ =	shalt  }
0x85: {  	_ =	shalt  }
0x86: {  	_ =	shalt  }
0x87: {  	_ =	shalt  }
.Lfunc_end0:
.L_simem_size_0:
called_computation_lowered:
.L_overlay_start_0:
0x88: {  	s2 =	sld [smem:$0x3FD9]  }
0x89: {  	s3 =	sld [smem:$0x3FFE];
	_ =	sdelay $0x1  }
0x8a: {  	s1 =	srdreg.scid  }
0x8b: {  	s0 =	sand.u32 $0x1, s1  }
0x8c: {  	s17 =	sshll.u32 s0, $0xA;
	s2 =	sadd.s32 s3, s2  }
0x8d: {  	s2 =	sadd.s32 s2, s17  }
0x8e: {  	[smem:$0x3FC1] =	sst s2  }
0x8f: {  	_ = 	snop  }
0x90: {  	s2 =	sld [smem:$0x3FC9]  }
0x91: {  	s18 =	sld [smem:$0x3FD0];
	(tm) =	ssettm $0x1  }
0x92: {  	s4 =	sld [smem:$0x3FFB];
	_ =	sdelay $0x3  }
0x93: {  	_ =	strace s4  }
0x94: {  	s4 =	sld [smem:$0x3FFC];
	_ =	sdelay $0x3  }
0x95: {  	_ =	strace s4  }
0x96: {  	s4 =	sld [smem:$0x3FFD];
	_ =	sdelay $0x3  }
0x97: {  	_ =	strace s4  }
0x98: {  	_ =	strace $0x8FFFFFFF  }
0x99: {  	s19 =	sld [smem:$0x3FDB];
	_ =	sdelay $0x1  }
0x9a: {  	s5 =	simm.s32 $_scs_section_size  }
0x9b: {  	s6 =	simm.s32 $_size__tile_overlayer_lowered;
	s7 =	simm.s32 $_tile_overlayer_lowered  }
0x9c: {  	s22 =	simm.s32 $0x1BFF;
	s21 =	sshll.u32 s7, $0x1;
	s4 =	sadd.s32 s5, s19  }
0x9d: {  	s8 =	simm.s32 $0x0;
	s20 =	sshll.u32 s6, $0x1;
	s6 =	sadd.s32 s21, s4  }
0x9e: {  	[timem:s8], [sflag:s22] =	dma.local [hbm:s6], s20  }
0x9f: {  	_ =	swait.ge [sflag:s22], s20  }
0xa0: {  	s5 =	ssub.s32 $0x0, s20;
	[sflag:s22] =	ssyncset.done $0x0  }
0xa1: {  	[sflag:s22] =	ssyncadd.s32 s5;
	_ =	sdelay $0x1  }
0xa2: {  	s23 =	simm.s32 $0x1B8B  }
0xa3: {  	_ =	swait.ge [sflag:s23], $0x1  }
0xa4: {  	[sflag:s23] =	ssyncset.done $0x0  }
0xa5: {  	s25 =	simm.s32 $0x1B8E;
	s24 =	sld [smem:$0x3FFE];
	[sflag:s23] =	ssyncadd.s32 $0xFFFFFFFF  }
0xa6: {  	s26 =	simm.s32 $execute0_lowered;
	[smem:$0x3FD2] =	sst s25  }
0xa7: {  	s6 =	sshll.u32 s26, $0x1;
	_ =	strace $0x80000046;
	[dreg:$0x1] =	wrdreg $0xFFFFFFFF  }
0xa8: {  	s28 =	simm.s32 $_size_execute0_lowered;
	s4 =	sadd.s32 s4, s6;
	[dreg:$0x0] =	wrdreg $0x0  }
0xa9: {  	s6 =	sshll.u32 s28, $0x1;
	[dreg:$0x2] =	wrdreg s4  }
0xaa: {  	[dreg:$0x3] =	wrdreg s6  }
0xab: {  	[dreg:$0x4] =	wrdreg $0xC0  }
0xac: {  	_ =	task [dreg:s8], $0x5FFFF  }
0xad: {  	[dreg:$0x1] =	wrdreg $0xFFFFFFFF  }
0xae: {  	[dreg:$0x0] =	wrdreg $0x60  }
0xaf: {  	[dreg:$0x2] =	wrdreg s18  }
0xb0: {  	[dreg:$0x3] =	wrdreg s2  }
0xb1: {  	[dreg:$0x4] =	wrdreg s24  }
0xb2: {  	[dreg:$0x5] =	wrdreg $0x8D000  }
0xb3: {  	[dreg:$0x6] =	wrdreg $0x9  }
0xb4: {  	_ =	task.clear_ibuf [dreg:s8], $0x7FFFF;
	_ =	strace $0x90000046  }
0xb5: {  	s29 =	simm.s32 $0x9;
	_ =	strace $0x80000048  }
0xb6: {  	_ =	swait.ge [sflag:s29], $0x1  }
0xb7: {  	[sflag:s29] =	ssyncadd.s32 $0xFFFFFFFF  }
0xb8: {  	_ =	strace $0x90000048  }
0xb9: {  	_ =	sfence  }
0xba: {  	s30 =	sld [smem:$0x0];
	_ =	sdelay $0x2  }
0xbb: {  	s31 =	sshll.u32 s1, $0xD;
	s1 =	sshrl.u32 s1, $0x2  }
0xbc: {  	s3 =	sand.u32 $0x4000, s31;
	s1 =	sadd.s32 s1, s30  }
0xbd: {  	s0 =	sor.u32 s3, s0;
	s1 =	sshll.u32 s1, $0x11  }
0xbe: {  	s0 =	sor.u32 s1, s0  }
0xbf: {  	s0 =	sadd.s32 $0x8F2B, s0  }
0xc0: {  	[sflag:s0] =	ssyncadd.remote.s32 $0x1  }
0xc1: {  	_ =	sfence.sel $0xFFFF  }
0xc2: {  	[dreg:$0x0] =	wrdreg $0xFFFFFFFF;
	(pc) =	sbr.abs _section_cstart, $3  }
0xc3: {  	[dreg:$0x1] =	wrdreg $0xFFFFFFFF  }
0xc4: {  	_ =	task.clear_ibuf [dreg:s8], $0x2FFFF;
	_ =	strace $0x9FFFFFFF  }
0xc5: {  	(tm) =	ssettm $0x7FFFFFFF  }
tec
execute0_lowered:
.L_overlay_start_1:
0x0: {  	(tag) =	ssettag $0x1  }
0x1: {  	s1 =	rddreg [dreg:$0x0]  }
0x2: {  	s2 =	rddreg [dreg:$0x1]  }
0x3: {  	s0 =	rddreg [dreg:$0x2];
	s3 =	srdreg.scid  }
0x4: {  	s11 =	stileid.u32;
	s4 =	rddreg [dreg:$0x3];
	s5 =	simm.s32 $0x0  }
0x5: {  	s31 =	simm.s32 $0x200;
	s3 =	sand.u32 $0x1, s3;
	s23 =	smul.u32 $0x4E20, s11  }
0x6: {  	s28 =	simm.s32 $0xA;
	s6 =	sshll.u32 s11, $0x1;
	s19 =	smul.u32 $0x138800, s3  }
0x7: {  	s6 =	sor.u32 s3, s6;
	s7 =	ssub.s32 $0x2, s3;
	s3 =	smul.u32 $0x2710, s3  }
0x8: {  	s29 =	simm.s32 $0x6;
	[smem:$0x7FF] =	sst s5;
	s21 =	smul.u32 $0x13800, s11  }
0x9: {  	s6 =	smul.u32 $0x2710, s6;
	s8 =	sshrl.u32 s7, $0x1;
	s3 =	sadd.s32 s3, s23  }
0xa: {  	s7 =	ssub.s32 s7, s8;
	s26 =	sadd.s32 s21, s19;
	s21 =	sadd.s32 $0x4E480, s3  }
0xb: {  	s6 =	sshrl.u32 s6, $0x3;
	s8 =	sshrl.u32 s21, $0x3;
	s21 =	sadd.s32 $0x200, s3  }
0xc: {  	_ =	strace $0x80000047;
	s12 =	sadd.s32 s1, s6;
	[dreg:$0x1e] =	wrdreg s21  }
0xd: {  	s30 =	simm.s32 $0x4;
	s17 =	sadd.s32 $0x9C40, s12;
	[dreg:$0xc] =	wrdreg s12  }
0xe: {  	s0 =	sadd.s32 $0x1800, s0;
	s18 =	sadd.s32 $0x10, s12;
	[dreg:$0xd] =	wrdreg s17  }
0xf: {  	s16 =	smul.u32 $0x4E000, s11;
	s9 =	sadd.s32 $0x9C50, s12;
	[dreg:$0xe] =	wrdreg s18  }
0x10: {  	p0 =	sne.s32 s11, $0xF;
	s20 =	sadd.s32 $0x20, s12;
	[dreg:$0xf] =	wrdreg s9  }
0x11: {  	s11 =	simm.s32 $0x7;
	s10 =	sadd.s32 $0x9C60, s12;
	[dreg:$0x10] =	wrdreg s20  }
0x12: {  	s15 =	sadd.s32 $0x4E500, s3;
	s22 =	sadd.s32 $0x30, s12;
	[dreg:$0x11] =	wrdreg s10  }
0x13: {  	s6 =	sshrl.u32 s16, $0x2;
	s13 =	sadd.s32 $0x9C70, s12;
	[dreg:$0x12] =	wrdreg s22  }
0x14: {  	s16 =	sshrl.u32 s19, $0x3;
	s24 =	sadd.s32 $0x4E0, s12;
	[dreg:$0x13] =	wrdreg s13  }
0x15: {  	s19 =	sadd.s32 $0x300, s3;
	s25 =	sadd.s32 $0xA120, s12;
	[dreg:$0x14] =	wrdreg s24  }
0x16: {  	s23 =	sadd.s32 s8, s1;
	s21 =	simm.s32 $0x2;
	[dreg:$0x15] =	wrdreg s25  }
0x17: {  	s13 =	sadd.s32 s6, s4;
	s17 =	sshrl.u32 s15, $0x3;
	s20 =	sshrl.u32 s19, $0x3  }
0x18: {  	s22 =	sadd.s32 $0x280, s3;
	[dreg:$0x7] =	wrdreg s23;
	s10 =	sadd.s32 $0x4E580, s3  }
0x19: {  	s23 =	sadd.s32 $0x4C0, s12;
	s6 =	sadd.s32 $0x4000, s13;
	s14 =	sadd.s32 $0x8000, s13  }
0x1a: {  	s18 =	sadd.s32 s17, s1;
	s24 =	sshrl.u32 s22, $0x3;
	[dreg:$0x1b] =	wrdreg s13  }
0x1b: {  	s8 =	sshrl.u32 s10, $0x3;
	s17 =	sadd.s32 $0xC000, s13;
	[dreg:$0x1f] =	wrdreg s23  }
0x1c: {  	s19 =	sadd.s32 $0x10000, s13;
	s22 =	sadd.s32 $0x138000, s4;
	[dreg:$0x16] =	wrdreg s6  }
0x1d: {  	s10 =	simm.s32 $0x380;
	s13 =	simm.s32 $0x1;
	[dreg:$0x17] =	wrdreg s14  }
0x1e: {  	s23 =	simm.s32 $0x9;
	s6 =	sshrl.u32 s26, $0x3;
	[dreg:$0x5] =	wrdreg s18  }
0x1f: {  	s25 =	sadd.s32 s24, s1;
	s26 =	sadd.s32 $0x4E400, s3;
	[dreg:$0x19] =	wrdreg s17  }
0x20: {  	s14 =	sadd.s32 $0x380, s3;
	s15 =	sadd.s32 s8, s1;
	[dreg:$0x1a] =	wrdreg s19  }
0x21: {  	s24 =	sadd.s32 $0xA100, s12;
	s3 =	simm.s32 $0x80;
	s8 =	simm.s32 $0x300  }
0x22: {  	s17 =	simm.s32 $0x8480;
	s19 =	simm.s32 $0x4400;
	[dreg:$0x8] =	wrdreg s25  }
0x23: {  	s6 =	sadd.s32 s0, s6;
	s0 =	sadd.s32 s0, s16;
	[dreg:$0xa] =	wrdreg s15  }
0x24: {  	s9 =	sshrl.u32 s26, $0x3;
	s16 =	sshrl.u32 s14, $0x3;
	[smem:$0x7FA] =	sst s24  }
0x25: {  	s25 =	sadd.s32 $0x4D0, s12;
	s26 =	sadd.s32 $0xA110, s12;
	[dreg:$0x18] =	wrdreg s6  }
0x26: {  	s14 =	simm.s32 $0x400;
	s24 =	simm.s32 $0x5;
	[smem:$0x7FB] =	sst s25  }
0x27: {  	s12 =	simm.s32 $0x8;
	s15 =	simm.s32 $0x0;
	[smem:$0x7FC] =	sst s26  }
0x28: {  	s6 =	sadd.s32 s20, s1;
	s18 =	sadd.s32 s16, s1;
	[smem:$0x7FD] =	sst s15  }
0x29: {  	s0 =	sadd.s32 $0x27000, s0;
	s20 =	smax.u32 s7, $0x1;
	[dreg:$0x6] =	wrdreg s6  }
0x2a: {  	s7 =	simm.s32 $0x100;
	s25 =	simm.s32 $0x10;
	[dreg:$0xb] =	wrdreg s18  }
0x2b: {  	s26 =	simm.s32 $0x3;
	s6 =	sadd.s32 s9, s1;
	[dreg:$0x1c] =	wrdreg s0  }
0x2c: {  	[dreg:$0x1d] =	wrdreg s20;
	s0 =	simm.s32 $0x280;
	s9 =	simm.s32 $0x180  }
0x2d: {  	v0 =	vimm.f32 $0.0e+00;
	s20 =	simm.s32 $0xE;
	[dreg:$0x9] =	wrdreg s6;
	s6 =	simm.s32 $0x8500  }
.LBB2_1:
0x2e: {  	s15 =	rddreg [dreg:$0xc]  }
0x2f: {  	[tilespmem:s5], [sflag:$0x1] =	stream.linear.gather [hbm4b:s15+s5], $0x80, $0x38;
	[tilespmem:$0x1C580] =	vst v63  }
0x30: {  	s16 =	rddreg [dreg:$0xd]  }
0x31: {  	[tilespmem:s31], [sflag:$0x5] =	stream.linear.gather [hbm4b:s16+s5], $0x80, $0x38;
	[tilespmem:$0x1C580] =	vst v63  }
0x32: {  	s18 =	rddreg [dreg:$0xe]  }
0x33: {  	[tilespmem:s3], [sflag:$0x2] =	stream.linear.gather [hbm4b:s18+s5], $0x80, $0x38;
	[tilespmem:$0x1C580] =	vst v63  }
0x34: {  	s16 =	rddreg [dreg:$0xf]  }
0x35: {  	[tilespmem:s0], [sflag:$0x6] =	stream.linear.gather [hbm4b:s16+s5], $0x80, $0x38;
	[tilespmem:$0x1C580] =	vst v63  }
0x36: {  	s18 =	rddreg [dreg:$0x10]  }
0x37: {  	[tilespmem:s7], [sflag:$0x3] =	stream.linear.gather [hbm4b:s18+s5], $0x80, $0x38;
	[tilespmem:$0x1C580] =	vst v63  }
0x38: {  	s16 =	rddreg [dreg:$0x11]  }
0x39: {  	[tilespmem:s8], [sflag:$0x7] =	stream.linear.gather [hbm4b:s16+s5], $0x80, $0x38;
	[tilespmem:$0x1C580] =	vst v63  }
0x3a: {  	s18 =	rddreg [dreg:$0x12]  }
0x3b: {  	[tilespmem:s9], [sflag:$0x4] =	stream.linear.gather [hbm4b:s18+s5], $0x80, $0x38;
	[tilespmem:$0x1C580] =	vst v63  }
0x3c: {  	s16 =	rddreg [dreg:$0x13]  }
0x3d: {  	[tilespmem:s10], [sflag:$0x8] =	stream.linear.gather [hbm4b:s16+s5], $0x80, $0x38;
	[tilespmem:$0x1C580] =	vst v63  }
0x3e: {  	s18 =	rddreg [dreg:$0x14];
	s16 =	simm.s32 $0x8400  }
0x3f: {  	[tilespmem:s16], [sflag:$0xB] =	stream.linear.gather [hbm4b:s18+s5], $0x10, $0x38;
	[tilespmem:$0x1C580] =	vst v63  }
0x40: {  	s18 =	rddreg [dreg:$0x15]  }
0x41: {  	[tilespmem:s17], [sflag:$0xC] =	stream.linear.gather [hbm4b:s18+s5], $0x10, $0x38;
	[tilespmem:$0x1C580] =	vst v63  }
0x42: {  	_ =	swait.ge [sflag:s13], $0x80  }
0x43: {  	[sflag:s13] =	ssyncset.done $0x0  }
0x44: {  	s18 =	simm.s32 $0xB;
	[sflag:s13] =	ssyncadd.s32 $0xFFFFFF80  }
0x45: {  	[tilespmem:s14], [sflag:$0x9] =	stream.indirect.gather [hbm4b:s2+s3], $0x80, s5, s3, $0xb8;
	[tilespmem:$0x1C580] =	vst v63  }
0x46: {  	_ =	swait.ge [sflag:s18], $0x10  }
0x47: {  	[sflag:s18] =	ssyncset.done $0x0  }
0x48: {  	s15 =	simm.s32 $0x0;
	s17 =	simm.s32 $0x200;
	[sflag:s18] =	ssyncadd.s32 $0xFFFFFFF0  }
0x49: {  	[tilespmem:s6], [sflag:$0xD] =	stream.indirect.gather [hbm4b:s2+s25], $0x80, s16, s25, $0xb8;
	[tilespmem:$0x1C580] =	vst v63  }
.LBB2_2:
0x4a: {  	p1 =	sne.s32 s17, $0xFE00;
	[tilespmem:s15+$0x4470] =	vst v0  }
0x4b: {  	[tilespmem:s15+$0x4400] =	vst v0  }
0x4c: {  	[tilespmem:s15+$0x4410] =	vst v0  }
.Ltmp0:
0x4d: {  	[tilespmem:s15+$0x4420] =	vst v0;
	(pc) =	sbr.rel @p1 .LBB2_2-.Ltmp0, $4  }
0x4e: {  	[tilespmem:s15+$0x4430] =	vst v0  }
0x4f: {  	[tilespmem:s15+$0x4440] =	vst v0  }
0x50: {  	[tilespmem:s15+$0x4450] =	vst v0  }
0x51: {  	[tilespmem:s15+$0x4460] =	vst v0;
	s15 =	sshra.s32 s17, $0x2;
	s17 =	sadd.s32 $0x200, s17  }
0x52: {  	[tilespmem:s15+$0x4470] =	vst v0  }
0x53: {  	[tilespmem:s15+$0x4400] =	vst v0  }
0x54: {  	[tilespmem:s15+$0x4410] =	vst v0  }
0x55: {  	[tilespmem:s15+$0x4420] =	vst v0  }
0x56: {  	[tilespmem:s15+$0x4430] =	vst v0  }
0x57: {  	[tilespmem:s15+$0x4440] =	vst v0  }
0x58: {  	[tilespmem:s15+$0x4450] =	vst v0  }
0x59: {  	[tilespmem:s15+$0x4460] =	vst v0;
	s6 =	rddreg [dreg:$0x1b]  }
0x5a: {  	[spmem:s6] =	stream.linear.scatter [tilespmem:s19], [sflag:$0xE], $0x4000, $0x38;
	[tilespmem:$0x1C580] =	vst v63  }
0x5b: {  	_ =	swait.ge [sflag:s20], $0x4000  }
0x5c: {  	[sflag:s20] =	ssyncset.done $0x0  }
0x5d: {  	s16 =	rddreg [dreg:$0x16];
	[sflag:s20] =	ssyncadd.s32 $0xFFFFC000  }
0x5e: {  	[spmem:s16] =	stream.linear.scatter [tilespmem:s19], [sflag:$0xE], $0x4000, $0x38;
	[tilespmem:$0x1C580] =	vst v63  }
0x5f: {  	_ =	swait.ge [sflag:s20], $0x4000  }
0x60: {  	[sflag:s20] =	ssyncset.done $0x0  }
0x61: {  	s17 =	rddreg [dreg:$0x17];
	[sflag:s20] =	ssyncadd.s32 $0xFFFFC000  }
0x62: {  	[spmem:s17] =	stream.linear.scatter [tilespmem:s19], [sflag:$0xE], $0x4000, $0x38;
	[tilespmem:$0x1C580] =	vst v63  }
0x63: {  	_ =	swait.ge [sflag:s20], $0x4000  }
0x64: {  	[sflag:s20] =	ssyncset.done $0x0  }
0x65: {  	s18 =	rddreg [dreg:$0x19];
	[sflag:s20] =	ssyncadd.s32 $0xFFFFC000  }
0x66: {  	[spmem:s18] =	stream.linear.scatter [tilespmem:s19], [sflag:$0xE], $0x4000, $0x38;
	[tilespmem:$0x1C580] =	vst v63  }
0x67: {  	_ =	swait.ge [sflag:s20], $0x4000  }
0x68: {  	[sflag:s20] =	ssyncset.done $0x0  }
0x69: {  	s25 =	rddreg [dreg:$0x1a];
	[sflag:s20] =	ssyncadd.s32 $0xFFFFC000  }
0x6a: {  	[spmem:s25] =	stream.linear.scatter [tilespmem:s19], [sflag:$0xE], $0x3800, $0x38;
	[tilespmem:$0x1C580] =	vst v63  }
0x6b: {  	_ =	swait.ge [sflag:s20], $0x3800  }
0x6c: {  	[sflag:s20] =	ssyncset.done $0x0  }
0x6d: {  	s15 =	simm.s32 @!p0 $0x4400;
	[sflag:s20] =	ssyncadd.s32 $0xFFFFC800  }
0x6e: {  	[spmem:s22] =	stream.linear.scatter @!p0 [tilespmem:s15], [sflag:$0xE], $0x800, $0x38;
	[tilespmem:$0x1C580] =	vst v63  }
0x6f: {  	s15 =	simm.s32 @!p0 $0xE  }
0x70: {  	_ =	swait.ge @!p0 [sflag:s15], $0x800  }
0x71: {  	[sflag:s15] =	ssyncset.done @!p0 $0x0  }
0x72: {  	[sflag:s15] =	ssyncadd.s32 @!p0 $0xFFFFF800  }
0x73: {  	[bflag:$0x0] =	sbarrier.arrive $0xFFFF  }
0x74: {  	_ =	swait.ge [sflag:s21], $0x80  }
0x75: {  	[sflag:s21] =	ssyncset.done $0x0  }
0x76: {  	[sflag:s21] =	ssyncadd.s32 $0xFFFFFF80  }
0x77: {  	[tilespmem:s19], [sflag:$0xA] =	stream.indirect.gather [hbm4b:s2+s3], $0x80, s3, s3, $0xb8;
	[tilespmem:$0x1C580] =	vst v63  }
0x78: {  	_ =	swait.ge [sflag:s23], $0x4000  }
0x79: {  	[sflag:s23] =	ssyncset.done $0x0  }
0x7a: {  	[sflag:s23] =	ssyncadd.s32 $0xFFFFC000  }
0x7b: {  	_ =	swait.ge [sflag:s24], $0x80  }
0x7c: {  	[sflag:s24] =	ssyncset.done $0x0  }
0x7d: {  	[sflag:s24] =	ssyncadd.s32 $0xFFFFFF80  }
0x7e: {  	[spmem:s4] =	stream.indirect.scatter.add.f32 [tilespmem:s14], [sflag:$0xE], $0x80, s31, s3, $0xb8;
	[tilespmem:$0x1C580] =	vst v63  }
0x7f: {  	_ =	swait.ge [sflag:s20], $0x4000  }
0x80: {  	s16 =	rddreg [dreg:$0x1e]  }
0x81: {  	[sflag:s20] =	ssyncset.done $0x0;
	s6 =	sshrl.u32 s16, $0x3  }
0x82: {  	s17 =	rddreg [dreg:$0x9];
	[sflag:s20] =	ssyncadd.s32 $0xFFFFC000;
	s15 =	sadd.s32 s1, s6  }
0x83: {  	[tilespmem:s5], [sflag:$0x1] =	stream.linear.gather [hbm4b:s15+s5], $0x80, $0x38;
	[tilespmem:$0x1C580] =	vst v63  }
0x84: {  	s18 =	sadd.s32 $0x0, s17  }
0x85: {  	[tilespmem:s31], [sflag:$0x5] =	stream.linear.gather [hbm4b:s18+s5], $0x80, $0x38;
	[tilespmem:$0x1C580] =	vst v63  }
0x86: {  	_ =	swait.ge [sflag:s26], $0x80  }
0x87: {  	[sflag:s26] =	ssyncset.done $0x0  }
0x88: {  	[sflag:s26] =	ssyncadd.s32 $0xFFFFFF80  }
0x89: {  	[tilespmem:s14], [sflag:$0x9] =	stream.indirect.gather [hbm4b:s2+s3], $0x80, s7, s3, $0xb8;
	[tilespmem:$0x1C580] =	vst v63  }
0x8a: {  	_ =	swait.ge [sflag:s28], $0x4000  }
0x8b: {  	[sflag:s28] =	ssyncset.done $0x0  }
0x8c: {  	[sflag:s28] =	ssyncadd.s32 $0xFFFFC000  }
0x8d: {  	_ =	swait.ge [sflag:s29], $0x80  }
0x8e: {  	[sflag:s29] =	ssyncset.done $0x0  }
0x8f: {  	[sflag:s29] =	ssyncadd.s32 $0xFFFFFF80  }
0x90: {  	[spmem:s4] =	stream.indirect.scatter.add.f32 [tilespmem:s19], [sflag:$0xE], $0x80, s0, s3, $0xb8;
	[tilespmem:$0x1C580] =	vst v63  }
0x91: {  	_ =	swait.ge [sflag:s20], $0x4000  }
0x92: {  	s25 =	smov.u32 s22;
	s22 =	rddreg [dreg:$0x8];
	[sflag:s20] =	ssyncset.done $0x0  }
0x93: {  	s6 =	rddreg [dreg:$0x7];
	[sflag:s20] =	ssyncadd.s32 $0xFFFFC000;
	s15 =	sadd.s32 $0x0, s22  }
0x94: {  	[tilespmem:s3], [sflag:$0x2] =	stream.linear.gather [hbm4b:s15+s5], $0x80, $0x38;
	[tilespmem:$0x1C580] =	vst v63  }
0x95: {  	s18 =	sadd.s32 $0x0, s6  }
0x96: {  	[tilespmem:s0], [sflag:$0x6] =	stream.linear.gather [hbm4b:s18+s5], $0x80, $0x38;
	[tilespmem:$0x1C580] =	vst v63  }
0x97: {  	_ =	swait.ge [sflag:s30], $0x80  }
0x98: {  	[sflag:s30] =	ssyncset.done $0x0  }
0x99: {  	[sflag:s30] =	ssyncadd.s32 $0xFFFFFF80  }
0x9a: {  	[tilespmem:s19], [sflag:$0xA] =	stream.indirect.gather [hbm4b:s2+s3], $0x80, s9, s3, $0xb8;
	[tilespmem:$0x1C580] =	vst v63  }
0x9b: {  	_ =	swait.ge [sflag:s23], $0x4000  }
0x9c: {  	[sflag:s23] =	ssyncset.done $0x0  }
0x9d: {  	[sflag:s23] =	ssyncadd.s32 $0xFFFFC000  }
0x9e: {  	_ =	swait.ge [sflag:s11], $0x80  }
0x9f: {  	[sflag:s11] =	ssyncset.done $0x0  }
0xa0: {  	[sflag:s11] =	ssyncadd.s32 $0xFFFFFF80  }
0xa1: {  	[spmem:s4] =	stream.indirect.scatter.add.f32 [tilespmem:s14], [sflag:$0xE], $0x80, s8, s3, $0xb8;
	[tilespmem:$0x1C580] =	vst v63  }
0xa2: {  	_ =	swait.ge [sflag:s20], $0x4000  }
0xa3: {  	s22 =	rddreg [dreg:$0x6];
	[sflag:s20] =	ssyncset.done $0x0  }
0xa4: {  	s6 =	rddreg [dreg:$0x5];
	[sflag:s20] =	ssyncadd.s32 $0xFFFFC000;
	s15 =	sadd.s32 $0x0, s22  }
0xa5: {  	[tilespmem:s7], [sflag:$0x3] =	stream.linear.gather [hbm4b:s15+s5], $0x80, $0x38;
	[tilespmem:$0x1C580] =	vst v63  }
0xa6: {  	s17 =	sadd.s32 $0x0, s6  }
0xa7: {  	[tilespmem:s8], [sflag:$0x7] =	stream.linear.gather [hbm4b:s17+s5], $0x80, $0x38;
	[tilespmem:$0x1C580] =	vst v63  }
0xa8: {  	_ =	swait.ge [sflag:s13], $0x80  }
0xa9: {  	[sflag:s13] =	ssyncset.done $0x0  }
0xaa: {  	[sflag:s13] =	ssyncadd.s32 $0xFFFFFF80  }
0xab: {  	[tilespmem:s14], [sflag:$0x9] =	stream.indirect.gather [hbm4b:s2+s3], $0x80, s5, s3, $0xb8;
	[tilespmem:$0x1C580] =	vst v63  }
0xac: {  	_ =	swait.ge [sflag:s28], $0x4000  }
0xad: {  	[sflag:s28] =	ssyncset.done $0x0  }
0xae: {  	[sflag:s28] =	ssyncadd.s32 $0xFFFFC000  }
0xaf: {  	_ =	swait.ge [sflag:s12], $0x80  }
0xb0: {  	[sflag:s12] =	ssyncset.done $0x0  }
0xb1: {  	[sflag:s12] =	ssyncadd.s32 $0xFFFFFF80  }
0xb2: {  	[spmem:s4] =	stream.indirect.scatter.add.f32 [tilespmem:s19], [sflag:$0xE], $0x80, s10, s3, $0xb8;
	[tilespmem:$0x1C580] =	vst v63  }
0xb3: {  	_ =	swait.ge [sflag:s20], $0x4000  }
0xb4: {  	s18 =	rddreg [dreg:$0xb];
	[sflag:s20] =	ssyncset.done $0x0  }
0xb5: {  	s22 =	rddreg [dreg:$0xa];
	[sflag:s20] =	ssyncadd.s32 $0xFFFFC000;
	s15 =	sadd.s32 $0x0, s18  }
0xb6: {  	[tilespmem:s9], [sflag:$0x4] =	stream.linear.gather [hbm4b:s15+s5], $0x80, $0x38;
	[tilespmem:$0x1C580] =	vst v63  }
0xb7: {  	s17 =	sadd.s32 $0x200, s16;
	s18 =	sadd.s32 $0x0, s22;
	s15 =	simm.s32 $0x40  }
.LBB2_4:
0xb8: {  	[tilespmem:s10], [sflag:$0x8] =	stream.linear.gather [hbm4b:s18+s5], $0x80, $0x38;
	[tilespmem:$0x1C580] =	vst v63  }
0xb9: {  	_ =	swait.ge [sflag:s21], $0x80  }
0xba: {  	[sflag:s21] =	ssyncset.done $0x0  }
0xbb: {  	[sflag:s21] =	ssyncadd.s32 $0xFFFFFF80  }
0xbc: {  	[tilespmem:s19], [sflag:$0xA] =	stream.indirect.gather [hbm4b:s2+s3], $0x80, s3, s3, $0xb8;
	[tilespmem:$0x1C580] =	vst v63  }
0xbd: {  	_ =	swait.ge [sflag:s23], $0x4000  }
0xbe: {  	[sflag:s23] =	ssyncset.done $0x0  }
0xbf: {  	[sflag:s23] =	ssyncadd.s32 $0xFFFFC000  }
0xc0: {  	_ =	swait.ge [sflag:s24], $0x80  }
0xc1: {  	[sflag:s24] =	ssyncset.done $0x0  }
0xc2: {  	[sflag:s24] =	ssyncadd.s32 $0xFFFFFF80  }
0xc3: {  	[spmem:s4] =	stream.indirect.scatter.add.f32 [tilespmem:s14], [sflag:$0xE], $0x80, s31, s3, $0xb8;
	[tilespmem:$0x1C580] =	vst v63  }
0xc4: {  	_ =	swait.ge [sflag:s20], $0x4000  }
0xc5: {  	s18 =	smov.u32 s15;
	s16 =	sshrl.u32 s17, $0x3;
	[sflag:s20] =	ssyncset.done $0x0  }
0xc6: {  	s16 =	sadd.s32 s1, s16;
	s22 =	rddreg [dreg:$0x9];
	[sflag:s20] =	ssyncadd.s32 $0xFFFFC000  }
0xc7: {  	[tilespmem:s5], [sflag:$0x1] =	stream.linear.gather [hbm4b:s16+s5], $0x80, $0x38;
	[tilespmem:$0x1C580] =	vst v63  }
0xc8: {  	s6 =	sadd.s32 s18, s22  }
0xc9: {  	[tilespmem:s31], [sflag:$0x5] =	stream.linear.gather [hbm4b:s6+s5], $0x80, $0x38;
	[tilespmem:$0x1C580] =	vst v63  }
0xca: {  	_ =	swait.ge [sflag:s26], $0x80  }
0xcb: {  	[sflag:s26] =	ssyncset.done $0x0  }
0xcc: {  	[sflag:s26] =	ssyncadd.s32 $0xFFFFFF80  }
0xcd: {  	[tilespmem:s14], [sflag:$0x9] =	stream.indirect.gather [hbm4b:s2+s3], $0x80, s7, s3, $0xb8;
	[tilespmem:$0x1C580] =	vst v63  }
0xce: {  	_ =	swait.ge [sflag:s28], $0x4000  }
0xcf: {  	[sflag:s28] =	ssyncset.done $0x0  }
0xd0: {  	[sflag:s28] =	ssyncadd.s32 $0xFFFFC000  }
0xd1: {  	_ =	swait.ge [sflag:s29], $0x80  }
0xd2: {  	[sflag:s29] =	ssyncset.done $0x0  }
0xd3: {  	[sflag:s29] =	ssyncadd.s32 $0xFFFFFF80  }
0xd4: {  	[spmem:s4] =	stream.indirect.scatter.add.f32 [tilespmem:s19], [sflag:$0xE], $0x80, s0, s3, $0xb8;
	[tilespmem:$0x1C580] =	vst v63  }
0xd5: {  	_ =	swait.ge [sflag:s20], $0x4000  }
0xd6: {  	s22 =	rddreg [dreg:$0x8];
	[sflag:s20] =	ssyncset.done $0x0  }
0xd7: {  	s6 =	rddreg [dreg:$0x7];
	[sflag:s20] =	ssyncadd.s32 $0xFFFFC000;
	s16 =	sadd.s32 s18, s22  }
0xd8: {  	[tilespmem:s3], [sflag:$0x2] =	stream.linear.gather [hbm4b:s16+s5], $0x80, $0x38;
	[tilespmem:$0x1C580] =	vst v63  }
0xd9: {  	s6 =	sadd.s32 s18, s6  }
0xda: {  	[tilespmem:s0], [sflag:$0x6] =	stream.linear.gather [hbm4b:s6+s5], $0x80, $0x38;
	[tilespmem:$0x1C580] =	vst v63  }
0xdb: {  	_ =	swait.ge [sflag:s30], $0x80  }
0xdc: {  	[sflag:s30] =	ssyncset.done $0x0  }
0xdd: {  	[sflag:s30] =	ssyncadd.s32 $0xFFFFFF80  }
0xde: {  	[tilespmem:s19], [sflag:$0xA] =	stream.indirect.gather [hbm4b:s2+s3], $0x80, s9, s3, $0xb8;
	[tilespmem:$0x1C580] =	vst v63  }
0xdf: {  	_ =	swait.ge [sflag:s23], $0x4000  }
0xe0: {  	[sflag:s23] =	ssyncset.done $0x0  }
0xe1: {  	[sflag:s23] =	ssyncadd.s32 $0xFFFFC000  }
0xe2: {  	_ =	swait.ge [sflag:s11], $0x80  }
0xe3: {  	[sflag:s11] =	ssyncset.done $0x0  }
0xe4: {  	[sflag:s11] =	ssyncadd.s32 $0xFFFFFF80  }
0xe5: {  	[spmem:s4] =	stream.indirect.scatter.add.f32 [tilespmem:s14], [sflag:$0xE], $0x80, s8, s3, $0xb8;
	[tilespmem:$0x1C580] =	vst v63  }
0xe6: {  	_ =	swait.ge [sflag:s20], $0x4000  }
0xe7: {  	s22 =	rddreg [dreg:$0x6];
	[sflag:s20] =	ssyncset.done $0x0  }
0xe8: {  	s6 =	rddreg [dreg:$0x5];
	[sflag:s20] =	ssyncadd.s32 $0xFFFFC000;
	s16 =	sadd.s32 s18, s22  }
0xe9: {  	[tilespmem:s7], [sflag:$0x3] =	stream.linear.gather [hbm4b:s16+s5], $0x80, $0x38;
	[tilespmem:$0x1C580] =	vst v63  }
0xea: {  	s6 =	sadd.s32 s18, s6  }
0xeb: {  	[tilespmem:s8], [sflag:$0x7] =	stream.linear.gather [hbm4b:s6+s5], $0x80, $0x38;
	[tilespmem:$0x1C580] =	vst v63  }
0xec: {  	_ =	swait.ge [sflag:s13], $0x80  }
0xed: {  	[sflag:s13] =	ssyncset.done $0x0  }
0xee: {  	[sflag:s13] =	ssyncadd.s32 $0xFFFFFF80  }
0xef: {  	[tilespmem:s14], [sflag:$0x9] =	stream.indirect.gather [hbm4b:s2+s3], $0x80, s5, s3, $0xb8;
	[tilespmem:$0x1C580] =	vst v63  }
0xf0: {  	_ =	swait.ge [sflag:s28], $0x4000  }
0xf1: {  	[sflag:s28] =	ssyncset.done $0x0  }
0xf2: {  	[sflag:s28] =	ssyncadd.s32 $0xFFFFC000  }
0xf3: {  	_ =	swait.ge [sflag:s12], $0x80  }
0xf4: {  	[sflag:s12] =	ssyncset.done $0x0  }
0xf5: {  	p1 =	sne.s32 s15, $0x440;
	[sflag:s12] =	ssyncadd.s32 $0xFFFFFF80  }
0xf6: {  	[spmem:s4] =	stream.indirect.scatter.add.f32 [tilespmem:s19], [sflag:$0xE], $0x80, s10, s3, $0xb8;
	[tilespmem:$0x1C580] =	vst v63  }
.Ltmp1:
0xf7: {  	_ =	swait.ge [sflag:s20], $0x4000;
	(pc) =	sbr.rel @p1 .LBB2_4-.Ltmp1, $4  }
0xf8: {  	s15 =	sadd.s32 $0x40, s15;
	s22 =	rddreg [dreg:$0xb]  }
0xf9: {  	s17 =	sadd.s32 $0x200, s17;
	s6 =	rddreg [dreg:$0xa];
	[sflag:s20] =	ssyncset.done $0x0  }
0xfa: {  	[sflag:s20] =	ssyncadd.s32 $0xFFFFC000;
	s16 =	sadd.s32 s18, s22;
	s18 =	sadd.s32 s18, s6  }
0xfb: {  	[tilespmem:s9], [sflag:$0x4] =	stream.linear.gather [hbm4b:s16+s5], $0x80, $0x38;
	[tilespmem:$0x1C580] =	vst v63  }
0xfc: {  	[tilespmem:s10], [sflag:$0x8] =	stream.linear.gather [hbm4b:s18+s5], $0x80, $0x38;
	[tilespmem:$0x1C580] =	vst v63  }
0xfd: {  	_ =	swait.ge [sflag:s21], $0x80  }
0xfe: {  	[sflag:s21] =	ssyncset.done $0x0  }
0xff: {  	[sflag:s21] =	ssyncadd.s32 $0xFFFFFF80  }
0x100: {  	[tilespmem:s19], [sflag:$0xA] =	stream.indirect.gather [hbm4b:s2+s3], $0x80, s3, s3, $0xb8;
	[tilespmem:$0x1C580] =	vst v63  }
0x101: {  	_ =	swait.ge [sflag:s23], $0x4000  }
0x102: {  	[sflag:s23] =	ssyncset.done $0x0  }
0x103: {  	[sflag:s23] =	ssyncadd.s32 $0xFFFFC000  }
0x104: {  	_ =	swait.ge [sflag:s24], $0x80  }
0x105: {  	[sflag:s24] =	ssyncset.done $0x0  }
0x106: {  	[sflag:s24] =	ssyncadd.s32 $0xFFFFFF80  }
0x107: {  	[spmem:s4] =	stream.indirect.scatter.add.f32 [tilespmem:s14], [sflag:$0xE], $0x80, s31, s3, $0xb8;
	[tilespmem:$0x1C580] =	vst v63  }
0x108: {  	_ =	swait.ge [sflag:s20], $0x4000  }
0x109: {  	[sflag:s20] =	ssyncset.done $0x0;
	s15 =	rddreg [dreg:$0x1f]  }
0x10a: {  	s18 =	sld [smem:$0x7FA];
	[sflag:s20] =	ssyncadd.s32 $0xFFFFC000  }
0x10b: {  	[tilespmem:s5], [sflag:$0x1] =	stream.linear.gather [hbm4b:s15+s5], $0x80, $0x38;
	[tilespmem:$0x1C580] =	vst v63  }
0x10c: {  	_ = 	snop  }
0x10d: {  	[tilespmem:s31], [sflag:$0x5] =	stream.linear.gather [hbm4b:s18+s5], $0x80, $0x38;
	[tilespmem:$0x1C580] =	vst v63  }
0x10e: {  	_ =	swait.ge [sflag:s26], $0x80  }
0x10f: {  	[sflag:s26] =	ssyncset.done $0x0  }
0x110: {  	[sflag:s26] =	ssyncadd.s32 $0xFFFFFF80  }
0x111: {  	[tilespmem:s14], [sflag:$0x9] =	stream.indirect.gather [hbm4b:s2+s3], $0x80, s7, s3, $0xb8;
	[tilespmem:$0x1C580] =	vst v63  }
0x112: {  	_ =	swait.ge [sflag:s28], $0x4000  }
0x113: {  	[sflag:s28] =	ssyncset.done $0x0  }
0x114: {  	[sflag:s28] =	ssyncadd.s32 $0xFFFFC000  }
0x115: {  	_ =	swait.ge [sflag:s29], $0x80  }
0x116: {  	[sflag:s29] =	ssyncset.done $0x0  }
0x117: {  	[sflag:s29] =	ssyncadd.s32 $0xFFFFFF80  }
0x118: {  	[spmem:s4] =	stream.indirect.scatter.add.f32 [tilespmem:s19], [sflag:$0xE], $0x80, s0, s3, $0xb8;
	[tilespmem:$0x1C580] =	vst v63  }
0x119: {  	_ =	swait.ge [sflag:s20], $0x4000  }
0x11a: {  	s22 =	sld [smem:$0x7FB]  }
0x11b: {  	[sflag:s20] =	ssyncset.done $0x0  }
0x11c: {  	s6 =	sld [smem:$0x7FC];
	[sflag:s20] =	ssyncadd.s32 $0xFFFFC000  }
0x11d: {  	[tilespmem:s3], [sflag:$0x2] =	stream.linear.gather [hbm4b:s22+s5], $0x80, $0x38;
	[tilespmem:$0x1C580] =	vst v63  }
0x11e: {  	_ = 	snop  }
0x11f: {  	[tilespmem:s0], [sflag:$0x6] =	stream.linear.gather [hbm4b:s6+s5], $0x80, $0x38;
	[tilespmem:$0x1C580] =	vst v63  }
0x120: {  	_ =	swait.ge [sflag:s30], $0x80  }
0x121: {  	[sflag:s30] =	ssyncset.done $0x0  }
0x122: {  	[sflag:s30] =	ssyncadd.s32 $0xFFFFFF80  }
0x123: {  	[tilespmem:s19], [sflag:$0xA] =	stream.indirect.gather [hbm4b:s2+s3], $0x80, s9, s3, $0xb8;
	[tilespmem:$0x1C580] =	vst v63  }
0x124: {  	_ =	swait.ge [sflag:s23], $0x4000  }
0x125: {  	[sflag:s23] =	ssyncset.done $0x0  }
0x126: {  	[sflag:s23] =	ssyncadd.s32 $0xFFFFC000  }
0x127: {  	_ =	swait.ge [sflag:s11], $0x80  }
0x128: {  	[sflag:s11] =	ssyncset.done $0x0  }
0x129: {  	[sflag:s11] =	ssyncadd.s32 $0xFFFFFF80  }
0x12a: {  	[spmem:s4] =	stream.indirect.scatter.add.f32 [tilespmem:s14], [sflag:$0xE], $0x80, s8, s3, $0xb8;
	[tilespmem:$0x1C580] =	vst v63  }
0x12b: {  	_ =	swait.ge [sflag:s20], $0x4000  }
0x12c: {  	[sflag:s20] =	ssyncset.done $0x0  }
0x12d: {  	[sflag:s20] =	ssyncadd.s32 $0xFFFFC000  }
0x12e: {  	_ =	swait.ge [sflag:s13], $0x80  }
0x12f: {  	[sflag:s13] =	ssyncset.done $0x0  }
0x130: {  	[sflag:s13] =	ssyncadd.s32 $0xFFFFFF80  }
0x131: {  	[tilespmem:s14], [sflag:$0x9] =	stream.indirect.gather [hbm4b:s2+s3], $0x80, s5, s3, $0xb8;
	[tilespmem:$0x1C580] =	vst v63  }
0x132: {  	_ =	swait.ge [sflag:s28], $0x4000  }
0x133: {  	[sflag:s28] =	ssyncset.done $0x0  }
0x134: {  	[sflag:s28] =	ssyncadd.s32 $0xFFFFC000  }
0x135: {  	_ =	swait.ge [sflag:s12], $0x80  }
0x136: {  	[sflag:s12] =	ssyncset.done $0x0  }
0x137: {  	[sflag:s12] =	ssyncadd.s32 $0xFFFFFF80  }
0x138: {  	[spmem:s4] =	stream.indirect.scatter.add.f32 [tilespmem:s19], [sflag:$0xE], $0x80, s10, s3, $0xb8;
	[tilespmem:$0x1C580] =	vst v63  }
0x139: {  	_ =	swait.ge [sflag:s20], $0x4000  }
0x13a: {  	[sflag:s20] =	ssyncset.done $0x0  }
0x13b: {  	[sflag:s20] =	ssyncadd.s32 $0xFFFFC000  }
0x13c: {  	_ =	swait.ge [sflag:s21], $0x80  }
0x13d: {  	[sflag:s21] =	ssyncset.done $0x0  }
0x13e: {  	[sflag:s21] =	ssyncadd.s32 $0xFFFFFF80  }
0x13f: {  	[tilespmem:s19], [sflag:$0xA] =	stream.indirect.gather [hbm4b:s2+s3], $0x80, s3, s3, $0xb8;
	[tilespmem:$0x1C580] =	vst v63  }
0x140: {  	_ =	swait.ge [sflag:s23], $0x4000  }
0x141: {  	[sflag:s23] =	ssyncset.done $0x0  }
0x142: {  	[sflag:s23] =	ssyncadd.s32 $0xFFFFC000  }
0x143: {  	_ =	swait.ge [sflag:s24], $0x80  }
0x144: {  	[sflag:s24] =	ssyncset.done $0x0  }
0x145: {  	[sflag:s24] =	ssyncadd.s32 $0xFFFFFF80  }
0x146: {  	[spmem:s4] =	stream.indirect.scatter.add.f32 [tilespmem:s14], [sflag:$0xE], $0x80, s31, s3, $0xb8;
	[tilespmem:$0x1C580] =	vst v63  }
0x147: {  	_ =	swait.ge [sflag:s20], $0x4000  }
0x148: {  	[sflag:s20] =	ssyncset.done $0x0  }
0x149: {  	[sflag:s20] =	ssyncadd.s32 $0xFFFFC000  }
0x14a: {  	_ =	swait.ge [sflag:s28], $0x4000  }
0x14b: {  	[sflag:s28] =	ssyncset.done $0x0  }
0x14c: {  	[sflag:s28] =	ssyncadd.s32 $0xFFFFC000  }
0x14d: {  	_ =	swait.ge [sflag:s29], $0x80  }
0x14e: {  	[sflag:s29] =	ssyncset.done $0x0  }
0x14f: {  	[sflag:s29] =	ssyncadd.s32 $0xFFFFFF80  }
0x150: {  	[spmem:s4] =	stream.indirect.scatter.add.f32 [tilespmem:s19], [sflag:$0xE], $0x80, s0, s3, $0xb8;
	[tilespmem:$0x1C580] =	vst v63  }
0x151: {  	_ =	swait.ge [sflag:s20], $0x4000  }
0x152: {  	[sflag:s20] =	ssyncset.done $0x0  }
0x153: {  	s6 =	simm.s32 $0xD;
	[sflag:s20] =	ssyncadd.s32 $0xFFFFC000  }
0x154: {  	_ =	swait.ge [sflag:s6], $0x800  }
0x155: {  	[sflag:s6] =	ssyncset.done $0x0  }
0x156: {  	s16 =	simm.s32 $0xC;
	[sflag:s6] =	ssyncadd.s32 $0xFFFFF800  }
0x157: {  	_ =	swait.ge [sflag:s16], $0x10  }
0x158: {  	s17 =	simm.s32 $0x8480;
	[sflag:s16] =	ssyncset.done $0x0  }
0x159: {  	s6 =	simm.s32 $0x8500;
	[sflag:s16] =	ssyncadd.s32 $0xFFFFFFF0;
	s16 =	simm.s32 $0x10  }
0x15a: {  	[spmem:s4] =	stream.indirect.scatter.add.f32 [tilespmem:s6], [sflag:$0xE], $0x80, s17, s16, $0xb8;
	[tilespmem:$0x1C580] =	vst v63  }
0x15b: {  	_ =	swait.ge [sflag:s20], $0x800  }
0x15c: {  	[sflag:s20] =	ssyncset.done $0x0  }
0x15d: {  	[sflag:s20] =	ssyncadd.s32 $0xFFFFF800  }
0x15e: {  	s18 =	stileid.u32;
	[bflag:$0x0] =	sbarrier.arrive $0xFFFF  }
0x15f: {  	s15 =	sshll.u32 s18, $0x6;
	s22 =	rddreg [dreg:$0x1b]  }
0x160: {  	s15 =	sor.u32 $0x1C0E, s15;
	s17 =	rddreg [dreg:$0x18];
	s16 =	sshrl.u32 s22, $0x3  }
0x161: {  	[hbm:s17], [sflag:s15] =	dma.local [spmem:s16], $0x2700  }
0x162: {  	_ =	swait.ge [sflag:s20], $0x2700  }
0x163: {  	s22 =	smov.u32 s25;
	[sflag:s20] =	ssyncset.done $0x0  }
0x164: {  	s16 =	sshrl.u32 @!p0 s22, $0x3;
	s17 =	rddreg [dreg:$0x1c];
	[sflag:s20] =	ssyncadd.s32 $0xFFFFD900  }
0x165: {  	[hbm:s17], [sflag:s15] =	dma.local @!p0 [spmem:s16], $0x100  }
0x166: {  	s15 =	simm.s32 @!p0 $0xE  }
0x167: {  	_ =	swait.ge @!p0 [sflag:s15], $0x100  }
0x168: {  	s16 =	sld [smem:$0x7FD];
	_ =	sdelay $0x2  }
0x169: {  	s18 =	sadd.s32 $0x1, s16;
	s16 =	rddreg [dreg:$0x1d]  }
0x16a: {  	p1 =	sne.s32 s18, s16  }
.Ltmp2:
0x16b: {  	_ = 	snop;
	(pc) =	sbr.rel @p1 .LBB2_1-.Ltmp2, $3  }
0x16c: {  	_ =	sdelay $0x1  }
0x16d: {  	s25 =	simm.s32 $0x10;
	[sflag:s15] =	ssyncset.done @!p0 $0x0  }
0x16e: {  	s17 =	simm.s32 $0x8480;
	[sflag:s15] =	ssyncadd.s32 @!p0 $0xFFFFFF00;
	[smem:$0x7FD] =	sst s18  }
0x16f: {  	_ =	sfence.sel $0x180000  }
0x170: {  	[bflag:$0x0] =	sbarrier.arrive $0xFFFF  }
0x171: {  	_ =	strace $0x90000047  }
0x172: {  	s0 =	stileid.u32;
	[bflag:$0x2] =	sbarrier.arrive $0xFFFF  }
0x173: {  	p0 =	sne.s32 s0, $0x0;
	s0 =	rddreg [dreg:$0x4]  }
0x174: {  	s0 =	sadd.s32 @!p0 $0x100000, s0  }
0x175: {  	[sflag:s0] =	ssyncadd.tile.s32 @!p0 $0x1;
	_ =	shalt  }
.Lfunc_end2:
_tile_overlayer_lowered:
.L_overlay_start_2:
0x176: {  	(tag) =	ssettag $0x2  }
0x177: {  	s0 =	rddreg [dreg:$0x0];
	s2 =	stileid.u32  }
0x178: {  	s1 =	rddreg [dreg:$0x1];
	p0 =	sne.s32 s2, $0x0  }
0x179: {  	s3 =	rddreg [dreg:$0x2];
	[bflag:$0x3] =	sbarrier.arrive $0xFFFF;
	s2 =	simm.s32 @!p0 $0x1C0E  }
0x17a: {  	[timem:s3], [sflag:s2] =	dma.local @!p0 [hbm:s0], s1  }
0x17b: {  	s0 =	simm.s32 @!p0 $0xE  }
0x17c: {  	_ =	swait.ge @!p0 [sflag:s0], s1  }
0x17d: {  	s1 =	ssub.s32 @!p0 $0x0, s1;
	[sflag:s0] =	ssyncset.done @!p0 $0x0  }
0x17e: {  	[sflag:s0] =	ssyncadd.s32 @!p0 s1  }
0x17f: {  	[bflag:$0x3] =	sbarrier.arrive $0xFFFF  }
0x180: {  	_ =	shalt  }

</sc_bundles>
